<compile_context>
chip_gen: v7x
topology: tpu7x:2x2x1
jax: 0.10.2.dev20260603
libtpu: 0.0.44.dev20260713+nightly
codegen_flags: <defaults>
</compile_context>

<pallas_src>
import jax
import jax.numpy as jnp
from jax import lax
from jax.experimental import pallas as pl
from jax.experimental.pallas import tpu as pltpu
from jax.experimental.pallas import tpu_sc as plsc

_T = 4096
_B = 128
_NUM_AA = 21
_NW = 32
_ROWS_W = _T // _NW
_RPB = 4
_NBLK = _ROWS_W // _RPB
_NBUF = 2


def _sc_body(aa_hbm, out_hbm, idx_v, *scratch):
    bufs = scratch[:_NBUF]
    sems = scratch[_NBUF:]
    nc = 2
    wid = lax.axis_index("s") * nc + lax.axis_index("c")
    t0 = wid * _ROWS_W

    idx_copy = pltpu.make_async_copy(
        aa_hbm.at[pl.ds(t0 * _B, _ROWS_W * _B)], idx_v, sems[0]
    )
    idx_copy.start()

    iota = lax.broadcasted_iota(jnp.int32, (16,), 0)
    ones = jnp.full((16,), 1.0, dtype=jnp.float32)
    zeros = jnp.full((16,), 0.0, dtype=jnp.float32)

    def zero_buf(buf):
        def zero_body(i, _):
            c = i // _RPB
            r = i - c * _RPB
            for j in range(8):
                buf[c, r, pl.ds(j * 16, 16)] = zeros
            return 0

        lax.fori_loop(0, _NUM_AA * _RPB, zero_body, 0)

    def scatter_rows(blk, sub, val):
        def row_body(r, _):
            row = blk * _RPB + r
            ibase = row * _B
            rr = jnp.full((16,), r, dtype=jnp.int32)
            for j in range(8):
                cc = idx_v[pl.ds(ibase + j * 16, 16)]
                bb = iota + (j * 16)
                plsc.store_scatter(bufs[sub], [cc, rr, bb], val)
            return 0

        lax.fori_loop(0, _RPB, row_body, 0)

    def clear_fill_rows(old_blk, new_blk, sub):
        def row_body(r, _):
            rr = jnp.full((16,), r, dtype=jnp.int32)
            old_base = (old_blk * _RPB + r) * _B
            new_base = (new_blk * _RPB + r) * _B
            for j in range(8):
                bb = iota + (j * 16)
                cc_old = idx_v[pl.ds(old_base + j * 16, 16)]
                plsc.store_scatter(bufs[sub], [cc_old, rr, bb], zeros)
                cc_new = idx_v[pl.ds(new_base + j * 16, 16)]
                plsc.store_scatter(bufs[sub], [cc_new, rr, bb], ones)
            return 0

        lax.fori_loop(0, _RPB, row_body, 0)

    def out_copy(blk, sub):
        return pltpu.make_async_copy(
            bufs[sub],
            out_hbm.at[:, pl.ds(t0 + blk * _RPB, _RPB), :],
            sems[sub],
        )

    for sub in range(_NBUF):
        zero_buf(bufs[sub])
        if sub == 0:
            idx_copy.wait()
        scatter_rows(sub, sub, ones)
        out_copy(sub, sub).start()

    def outer(m, _):
        for sub in range(_NBUF):
            blk = _NBUF * m + sub
            out_copy(blk - _NBUF, sub).wait()
            clear_fill_rows(blk - _NBUF, blk, sub)
            out_copy(blk, sub).start()
        return 0

    lax.fori_loop(1, _NBLK // _NBUF, outer, 0)

    for sub in range(_NBUF):
        out_copy(_NBLK - _NBUF + sub, sub).wait()


@jax.jit
def _one_hot_sc(aa_flat):
    mesh = plsc.VectorSubcoreMesh(core_axis_name="c", subcore_axis_name="s")
    return pl.kernel(
        _sc_body,
        out_type=jax.ShapeDtypeStruct((_NUM_AA, _T, _B), jnp.float32),
        mesh=mesh,
        compiler_params=pltpu.CompilerParams(
            needs_layout_passes=False,
            disable_bounds_checks=True,
            disable_semaphore_checks=True,
        ),
        scratch_types=(
            [pltpu.VMEM((_ROWS_W * _B,), jnp.int32)]
            + [pltpu.VMEM((_NUM_AA, _RPB, _B), jnp.float32)
               for _ in range(_NBUF)]
            + [pltpu.SemaphoreType.DMA for _ in range(_NBUF)]
        ),
    )(aa_flat)


def kernel(mem, aa_indices):
    del mem
    out_cm = _one_hot_sc(aa_indices.reshape(_T * _B))
    return jnp.transpose(out_cm, (1, 2, 0))

# --- scband reference (transcript-rebuilt; emitter-appended) ---
"""Pipeline reference for scband-base-model-36919538876544 (READ-ONLY COPY).

The authoritative reference and input builder live on the scoring server;
editing this copy changes nothing except your own understanding.
"""

import jax, jax.numpy as jnp
import numpy as np

T, B, NUM_AA = 4096, 128, 21

def setup_inputs(seed: int = 0) -> dict:
    key = jax.random.key(seed)
    k1, k2 = jax.random.split(key)
    mem = jnp.zeros((T, NUM_AA, B), dtype=jnp.float32)
    aa_indices = jax.random.randint(k2, (T, B), 0, NUM_AA, dtype=jnp.int64 if jax.config.jax_enable_x64 else jnp.int32).astype(jnp.int32)
    return {"mem": mem, "aa_indices": aa_indices}

def reference(mem, aa_indices):
    # Faithful jax translation of BaseModel.embed one-hot scatter:
    #   embed_tensor = zeros(T, 21, B); embed_tensor.scatter_(1, data.unsqueeze(1), 1).transpose(1, 2)
    t = mem.shape[0]
    b = mem.shape[2]
    t_idx = jnp.arange(t)[:, None]          # [T, 1] -> broadcast [T, B]
    b_idx = jnp.arange(b)[None, :]          # [1, B] -> broadcast [T, B]
    # scatter-overwrite along dim 1 (amino-acid class dim), writing 1.0
    scattered = mem.at[t_idx, aa_indices, b_idx].set(1.0)   # [T, 21, B]
    input_sequences = jnp.transpose(scattered, (0, 2, 1))   # [T, B, 21]
    return input_sequences

if __name__ == "__main__":
    import jax
    _d = setup_inputs()
    print(jax.jit(kernel)(*tuple(_d.values())))

</pallas_src>

<mosaic_0001>
#map = affine_map<(d0, d1) -> (0)>
#map1 = affine_map<(d0, d1) -> (0, 0, 0)>
module attributes {stable_mosaic.version = 14 : i64} {
  func.func @_sc_body(%arg0: i32, %arg1: i32, %arg2: memref<524288xi32, #tpu.memory_space<hbm>>, %arg3: memref<21x4096x128xf32, #tpu.memory_space<hbm>>, %arg4: memref<16384xi32, #tpu.memory_space<vmem>>, %arg5: memref<21x4x128xf32, #tpu.memory_space<vmem>>, %arg6: memref<21x4x128xf32, #tpu.memory_space<vmem>>, %arg7: memref<!tpu.dma_semaphore, #tpu.memory_space<semaphore_mem>>, %arg8: memref<!tpu.dma_semaphore, #tpu.memory_space<semaphore_mem>>) attributes {dimension_semantics = [#tpu.dimension_semantics<core_parallel>, #tpu.dimension_semantics<subcore_parallel>], iteration_bounds = array<i64: 2, 16>, scalar_prefetch = 0 : i64, scratch_operands = 5 : i64, tpu.core_type = #tpu.core_type<sc_vector_subcore>, window_params = [{transform_indices = #map}, {transform_indices = #map1}]} {
    %mul3A = arith.constant 2 : i32
    %mul3A_0 = arith.muli %arg1, %mul3A : i32
    %add3A = arith.addi %mul3A_0, %arg0 : i32
    %mul3A_1 = arith.constant 128 : i32
    %mul3A_2 = arith.muli %add3A, %mul3A_1 : i32
    %mul3A_3 = arith.constant 128 : i32
    %mul3A_4 = arith.muli %mul3A_2, %mul3A_3 : i32
    %dma_start3A = tpu.memref_slice %arg2[%mul3A_4] : memref<524288xi32, #tpu.memory_space<hbm>> -> memref<16384xi32, #tpu.memory_space<hbm>>
    %dma_start3A_5 = tpu.memref_slice %arg2[%mul3A_4] : memref<524288xi32, #tpu.memory_space<hbm>> -> memref<16384xi32, #tpu.memory_space<hbm>>
    tpu.enqueue_dma source(%dma_start3A_5 : memref<16384xi32, #tpu.memory_space<hbm>>) target(%arg4 : memref<16384xi32, #tpu.memory_space<vmem>>) target_semaphore(%arg7 : memref<!tpu.dma_semaphore, #tpu.memory_space<semaphore_mem>>)
    %iota3A = tpu.iota {dimensions = array<i32: 0>} : vector<16xi32>
    %broadcast_in_dim3A = arith.constant 1.000000e+00 : f32
    %broadcast_in_dim3A_6 = vector.broadcast %broadcast_in_dim3A : f32 to vector<16xf32>
    %broadcast_in_dim3A_7 = arith.constant 0.000000e+00 : f32
    %broadcast_in_dim3A_8 = vector.broadcast %broadcast_in_dim3A_7 : f32 to vector<16xf32>
    %scan3A = arith.constant 0 : i32
    %scan3A_9 = arith.constant 0 : i32
    %scan3A_10 = arith.constant 84 : i32
    %scan3A_11 = arith.addi %scan3A_9, %scan3A_10 : i32
    %scan3A_12 = arith.constant 1 : i32
    %scan3A_13 = scf.for %scan3A_76 = %scan3A_9 to %scan3A_11 step %scan3A_12 iter_args(%scan3A_77 = %scan3A) -> (i32)  : i32 {
      %jit3A = arith.constant 4 : i32
      %div3A = arith.divsi %scan3A_76, %jit3A : i32
      %sign3A = arith.constant 0 : i32
      %sign3A_78 = arith.cmpi sgt, %scan3A_76, %sign3A : i32
      %sign3A_79 = arith.extui %sign3A_78 : i1 to i32
      %sign3A_80 = arith.constant 0 : i32
      %sign3A_81 = arith.cmpi slt, %scan3A_76, %sign3A_80 : i32
      %sign3A_82 = arith.extui %sign3A_81 : i1 to i32
      %sign3A_83 = arith.subi %sign3A_79, %sign3A_82 : i32
      %sign3A_84 = arith.constant 0 : i32
      %sign3A_85 = arith.cmpi sgt, %jit3A, %sign3A_84 : i32
      %sign3A_86 = arith.extui %sign3A_85 : i1 to i32
      %sign3A_87 = arith.constant 0 : i32
      %sign3A_88 = arith.cmpi slt, %jit3A, %sign3A_87 : i32
      %sign3A_89 = arith.extui %sign3A_88 : i1 to i32
      %sign3A_90 = arith.subi %sign3A_86, %sign3A_89 : i32
      %ne3A = arith.cmpi ne, %sign3A_83, %sign3A_90 : i32
      %rem3A = arith.remsi %scan3A_76, %jit3A : i32
      %ne3A_91 = arith.constant 0 : i32
      %ne3A_92 = arith.cmpi ne, %rem3A, %ne3A_91 : i32
      %and3A = arith.andi %ne3A, %ne3A_92 : i1
      %sub3A = arith.constant 1 : i32
      %sub3A_93 = arith.subi %div3A, %sub3A : i32
      %select_n3A = arith.select %and3A, %sub3A_93, %div3A : i32
      %mul3A_94 = arith.constant 4 : i32
      %mul3A_95 = arith.muli %select_n3A, %mul3A_94 : i32
      %sub3A_96 = arith.subi %scan3A_76, %mul3A_95 : i32
      %swap3A = arith.index_cast %select_n3A : i32 to index
      %swap3A_97 = arith.index_cast %sub3A_96 : i32 to index
      %swap3A_98 = arith.constant 0 : index
      %swap3A_99 = tpu.vector_load %arg5[%swap3A, %swap3A_97, %swap3A_98] {strides = array<i32>} : memref<21x4x128xf32, #tpu.memory_space<vmem>>, vector<16xf32>,
      tpu.vector_store %arg5[%swap3A, %swap3A_97, %swap3A_98], %broadcast_in_dim3A_8 {strides = array<i32>} : memref<21x4x128xf32, #tpu.memory_space<vmem>>, vector<16xf32>,
      %swap3A_100 = arith.index_cast %select_n3A : i32 to index
      %swap3A_101 = arith.index_cast %sub3A_96 : i32 to index
      %swap3A_102 = arith.constant 16 : index
      %swap3A_103 = tpu.vector_load %arg5[%swap3A_100, %swap3A_101, %swap3A_102] {strides = array<i32>} : memref<21x4x128xf32, #tpu.memory_space<vmem>>, vector<16xf32>,
      tpu.vector_store %arg5[%swap3A_100, %swap3A_101, %swap3A_102], %broadcast_in_dim3A_8 {strides = array<i32>} : memref<21x4x128xf32, #tpu.memory_space<vmem>>, vector<16xf32>,
      %swap3A_104 = arith.index_cast %select_n3A : i32 to index
      %swap3A_105 = arith.index_cast %sub3A_96 : i32 to index
      %swap3A_106 = arith.constant 32 : index
      %swap3A_107 = tpu.vector_load %arg5[%swap3A_104, %swap3A_105, %swap3A_106] {strides = array<i32>} : memref<21x4x128xf32, #tpu.memory_space<vmem>>, vector<16xf32>,
      tpu.vector_store %arg5[%swap3A_104, %swap3A_105, %swap3A_106], %broadcast_in_dim3A_8 {strides = array<i32>} : memref<21x4x128xf32, #tpu.memory_space<vmem>>, vector<16xf32>,
      %swap3A_108 = arith.index_cast %select_n3A : i32 to index
      %swap3A_109 = arith.index_cast %sub3A_96 : i32 to index
      %swap3A_110 = arith.constant 48 : index
      %swap3A_111 = tpu.vector_load %arg5[%swap3A_108, %swap3A_109, %swap3A_110] {strides = array<i32>} : memref<21x4x128xf32, #tpu.memory_space<vmem>>, vector<16xf32>,
      tpu.vector_store %arg5[%swap3A_108, %swap3A_109, %swap3A_110], %broadcast_in_dim3A_8 {strides = array<i32>} : memref<21x4x128xf32, #tpu.memory_space<vmem>>, vector<16xf32>,
      %swap3A_112 = arith.index_cast %select_n3A : i32 to index
      %swap3A_113 = arith.index_cast %sub3A_96 : i32 to index
      %swap3A_114 = arith.constant 64 : index
      %swap3A_115 = tpu.vector_load %arg5[%swap3A_112, %swap3A_113, %swap3A_114] {strides = array<i32>} : memref<21x4x128xf32, #tpu.memory_space<vmem>>, vector<16xf32>,
      tpu.vector_store %arg5[%swap3A_112, %swap3A_113, %swap3A_114], %broadcast_in_dim3A_8 {strides = array<i32>} : memref<21x4x128xf32, #tpu.memory_space<vmem>>, vector<16xf32>,
      %swap3A_116 = arith.index_cast %select_n3A : i32 to index
      %swap3A_117 = arith.index_cast %sub3A_96 : i32 to index
      %swap3A_118 = arith.constant 80 : index
      %swap3A_119 = tpu.vector_load %arg5[%swap3A_116, %swap3A_117, %swap3A_118] {strides = array<i32>} : memref<21x4x128xf32, #tpu.memory_space<vmem>>, vector<16xf32>,
      tpu.vector_store %arg5[%swap3A_116, %swap3A_117, %swap3A_118], %broadcast_in_dim3A_8 {strides = array<i32>} : memref<21x4x128xf32, #tpu.memory_space<vmem>>, vector<16xf32>,
      %swap3A_120 = arith.index_cast %select_n3A : i32 to index
      %swap3A_121 = arith.index_cast %sub3A_96 : i32 to index
      %swap3A_122 = arith.constant 96 : index
      %swap3A_123 = tpu.vector_load %arg5[%swap3A_120, %swap3A_121, %swap3A_122] {strides = array<i32>} : memref<21x4x128xf32, #tpu.memory_space<vmem>>, vector<16xf32>,
      tpu.vector_store %arg5[%swap3A_120, %swap3A_121, %swap3A_122], %broadcast_in_dim3A_8 {strides = array<i32>} : memref<21x4x128xf32, #tpu.memory_space<vmem>>, vector<16xf32>,
      %swap3A_124 = arith.index_cast %select_n3A : i32 to index
      %swap3A_125 = arith.index_cast %sub3A_96 : i32 to index
      %swap3A_126 = arith.constant 112 : index
      %swap3A_127 = tpu.vector_load %arg5[%swap3A_124, %swap3A_125, %swap3A_126] {strides = array<i32>} : memref<21x4x128xf32, #tpu.memory_space<vmem>>, vector<16xf32>,
      tpu.vector_store %arg5[%swap3A_124, %swap3A_125, %swap3A_126], %broadcast_in_dim3A_8 {strides = array<i32>} : memref<21x4x128xf32, #tpu.memory_space<vmem>>, vector<16xf32>,
      %scan3A_128 = arith.constant 0 : i32
      scf.yield %scan3A_128 : i32
    }
    %scan3A_14 = arith.constant 84 : i32
    %dma_wait3A = tpu.memref_slice %arg2[%mul3A_4] : memref<524288xi32, #tpu.memory_space<hbm>> -> memref<16384xi32, #tpu.memory_space<hbm>>
    %dma_wait3A_15 = tpu.memref_slice %arg2[%mul3A_4] : memref<524288xi32, #tpu.memory_space<hbm>> -> memref<16384xi32, #tpu.memory_space<hbm>>
    tpu.wait_dma2 semaphore(%arg7 : memref<!tpu.dma_semaphore, #tpu.memory_space<semaphore_mem>>) src(%dma_wait3A_15 : memref<16384xi32, #tpu.memory_space<hbm>>) dst(%arg4 : memref<16384xi32, #tpu.memory_space<vmem>>)
    %scan3A_16 = arith.constant 0 : i32
    %scan3A_17 = arith.constant 0 : i32
    %scan3A_18 = arith.constant 4 : i32
    %scan3A_19 = arith.addi %scan3A_17, %scan3A_18 : i32
    %scan3A_20 = arith.constant 1 : i32
    %scan3A_21 = scf.for %scan3A_76 = %scan3A_17 to %scan3A_19 step %scan3A_20 iter_args(%scan3A_77 = %scan3A_16) -> (i32)  : i32 {
      %add3A_78 = arith.constant 0 : i32
      %add3A_79 = arith.addi %add3A_78, %scan3A_76 : i32
      %mul3A_80 = arith.constant 128 : i32
      %mul3A_81 = arith.muli %add3A_79, %mul3A_80 : i32
      %broadcast_in_dim3A_82 = vector.broadcast %scan3A_76 : i32 to vector<16xi32>
      %add3A_83 = arith.constant 0 : i32
      %add3A_84 = arith.addi %mul3A_81, %add3A_83 : i32
      %get3A = arith.index_cast %add3A_84 : i32 to index
      %get3A_85 = tpu.vector_load %arg4[%get3A] {strides = array<i32>} : memref<16384xi32, #tpu.memory_space<vmem>>, vector<16xi32>,
      %add3A_86 = arith.constant 0 : i32
      %add3A_87 = vector.broadcast %add3A_86 : i32 to vector<16xi32>
      %add3A_88 = arith.addi %iota3A, %add3A_87 : vector<16xi32>
      tpu.vector_store_idx %arg5[%get3A_85, %broadcast_in_dim3A_82, %add3A_88], %broadcast_in_dim3A_6 : memref<21x4x128xf32, #tpu.memory_space<vmem>>[vector<16xi32>, vector<16xi32>, vector<16xi32>], vector<16xf32>,
      %add3A_89 = arith.constant 16 : i32
      %add3A_90 = arith.addi %mul3A_81, %add3A_89 : i32
      %get3A_91 = arith.index_cast %add3A_90 : i32 to index
      %get3A_92 = tpu.vector_load %arg4[%get3A_91] {strides = array<i32>} : memref<16384xi32, #tpu.memory_space<vmem>>, vector<16xi32>,
      %add3A_93 = arith.constant 16 : i32
      %add3A_94 = vector.broadcast %add3A_93 : i32 to vector<16xi32>
      %add3A_95 = arith.addi %iota3A, %add3A_94 : vector<16xi32>
      tpu.vector_store_idx %arg5[%get3A_92, %broadcast_in_dim3A_82, %add3A_95], %broadcast_in_dim3A_6 : memref<21x4x128xf32, #tpu.memory_space<vmem>>[vector<16xi32>, vector<16xi32>, vector<16xi32>], vector<16xf32>,
      %add3A_96 = arith.constant 32 : i32
      %add3A_97 = arith.addi %mul3A_81, %add3A_96 : i32
      %get3A_98 = arith.index_cast %add3A_97 : i32 to index
      %get3A_99 = tpu.vector_load %arg4[%get3A_98] {strides = array<i32>} : memref<16384xi32, #tpu.memory_space<vmem>>, vector<16xi32>,
      %add3A_100 = arith.constant 32 : i32
      %add3A_101 = vector.broadcast %add3A_100 : i32 to vector<16xi32>
      %add3A_102 = arith.addi %iota3A, %add3A_101 : vector<16xi32>
      tpu.vector_store_idx %arg5[%get3A_99, %broadcast_in_dim3A_82, %add3A_102], %broadcast_in_dim3A_6 : memref<21x4x128xf32, #tpu.memory_space<vmem>>[vector<16xi32>, vector<16xi32>, vector<16xi32>], vector<16xf32>,
      %add3A_103 = arith.constant 48 : i32
      %add3A_104 = arith.addi %mul3A_81, %add3A_103 : i32
      %get3A_105 = arith.index_cast %add3A_104 : i32 to index
      %get3A_106 = tpu.vector_load %arg4[%get3A_105] {strides = array<i32>} : memref<16384xi32, #tpu.memory_space<vmem>>, vector<16xi32>,
      %add3A_107 = arith.constant 48 : i32
      %add3A_108 = vector.broadcast %add3A_107 : i32 to vector<16xi32>
      %add3A_109 = arith.addi %iota3A, %add3A_108 : vector<16xi32>
      tpu.vector_store_idx %arg5[%get3A_106, %broadcast_in_dim3A_82, %add3A_109], %broadcast_in_dim3A_6 : memref<21x4x128xf32, #tpu.memory_space<vmem>>[vector<16xi32>, vector<16xi32>, vector<16xi32>], vector<16xf32>,
      %add3A_110 = arith.constant 64 : i32
      %add3A_111 = arith.addi %mul3A_81, %add3A_110 : i32
      %get3A_112 = arith.index_cast %add3A_111 : i32 to index
      %get3A_113 = tpu.vector_load %arg4[%get3A_112] {strides = array<i32>} : memref<16384xi32, #tpu.memory_space<vmem>>, vector<16xi32>,
      %add3A_114 = arith.constant 64 : i32
      %add3A_115 = vector.broadcast %add3A_114 : i32 to vector<16xi32>
      %add3A_116 = arith.addi %iota3A, %add3A_115 : vector<16xi32>
      tpu.vector_store_idx %arg5[%get3A_113, %broadcast_in_dim3A_82, %add3A_116], %broadcast_in_dim3A_6 : memref<21x4x128xf32, #tpu.memory_space<vmem>>[vector<16xi32>, vector<16xi32>, vector<16xi32>], vector<16xf32>,
      %add3A_117 = arith.constant 80 : i32
      %add3A_118 = arith.addi %mul3A_81, %add3A_117 : i32
      %get3A_119 = arith.index_cast %add3A_118 : i32 to index
      %get3A_120 = tpu.vector_load %arg4[%get3A_119] {strides = array<i32>} : memref<16384xi32, #tpu.memory_space<vmem>>, vector<16xi32>,
      %add3A_121 = arith.constant 80 : i32
      %add3A_122 = vector.broadcast %add3A_121 : i32 to vector<16xi32>
      %add3A_123 = arith.addi %iota3A, %add3A_122 : vector<16xi32>
      tpu.vector_store_idx %arg5[%get3A_120, %broadcast_in_dim3A_82, %add3A_123], %broadcast_in_dim3A_6 : memref<21x4x128xf32, #tpu.memory_space<vmem>>[vector<16xi32>, vector<16xi32>, vector<16xi32>], vector<16xf32>,
      %add3A_124 = arith.constant 96 : i32
      %add3A_125 = arith.addi %mul3A_81, %add3A_124 : i32
      %get3A_126 = arith.index_cast %add3A_125 : i32 to index
      %get3A_127 = tpu.vector_load %arg4[%get3A_126] {strides = array<i32>} : memref<16384xi32, #tpu.memory_space<vmem>>, vector<16xi32>,
      %add3A_128 = arith.constant 96 : i32
      %add3A_129 = vector.broadcast %add3A_128 : i32 to vector<16xi32>
      %add3A_130 = arith.addi %iota3A, %add3A_129 : vector<16xi32>
      tpu.vector_store_idx %arg5[%get3A_127, %broadcast_in_dim3A_82, %add3A_130], %broadcast_in_dim3A_6 : memref<21x4x128xf32, #tpu.memory_space<vmem>>[vector<16xi32>, vector<16xi32>, vector<16xi32>], vector<16xf32>,
      %add3A_131 = arith.constant 112 : i32
      %add3A_132 = arith.addi %mul3A_81, %add3A_131 : i32
      %get3A_133 = arith.index_cast %add3A_132 : i32 to index
      %get3A_134 = tpu.vector_load %arg4[%get3A_133] {strides = array<i32>} : memref<16384xi32, #tpu.memory_space<vmem>>, vector<16xi32>,
      %add3A_135 = arith.constant 112 : i32
      %add3A_136 = vector.broadcast %add3A_135 : i32 to vector<16xi32>
      %add3A_137 = arith.addi %iota3A, %add3A_136 : vector<16xi32>
      tpu.vector_store_idx %arg5[%get3A_134, %broadcast_in_dim3A_82, %add3A_137], %broadcast_in_dim3A_6 : memref<21x4x128xf32, #tpu.memory_space<vmem>>[vector<16xi32>, vector<16xi32>, vector<16xi32>], vector<16xf32>,
      %scan3A_138 = arith.constant 0 : i32
      scf.yield %scan3A_138 : i32
    }
    %scan3A_22 = arith.constant 4 : i32
    %add3A_23 = arith.constant 0 : i32
    %add3A_24 = arith.addi %mul3A_2, %add3A_23 : i32
    %dma_start3A_25 = arith.constant 0 : i32
    %dma_start3A_26 = arith.constant 0 : i32
    %dma_start3A_27 = tpu.memref_slice %arg3[%dma_start3A_25, %add3A_24, %dma_start3A_26] : memref<21x4096x128xf32, #tpu.memory_space<hbm>> -> memref<21x4x128xf32, #tpu.memory_space<hbm>>
    %dma_start3A_28 = arith.constant 0 : i32
    %dma_start3A_29 = arith.constant 0 : i32
    %dma_start3A_30 = tpu.memref_slice %arg3[%dma_start3A_28, %add3A_24, %dma_start3A_29] : memref<21x4096x128xf32, #tpu.memory_space<hbm>> -> memref<21x4x128xf32, #tpu.memory_space<hbm>>
    tpu.enqueue_dma source(%arg5 : memref<21x4x128xf32, #tpu.memory_space<vmem>>) target(%dma_start3A_30 : memref<21x4x128xf32, #tpu.memory_space<hbm>>) target_semaphore(%arg7 : memref<!tpu.dma_semaphore, #tpu.memory_space<semaphore_mem>>)
    %scan3A_31 = arith.constant 0 : i32
    %scan3A_32 = arith.constant 0 : i32
    %scan3A_33 = arith.constant 84 : i32
    %scan3A_34 = arith.addi %scan3A_32, %scan3A_33 : i32
    %scan3A_35 = arith.constant 1 : i32
    %scan3A_36 = scf.for %scan3A_76 = %scan3A_32 to %scan3A_34 step %scan3A_35 iter_args(%scan3A_77 = %scan3A_31) -> (i32)  : i32 {
      %jit3A = arith.constant 4 : i32
      %div3A = arith.divsi %scan3A_76, %jit3A : i32
      %sign3A = arith.constant 0 : i32
      %sign3A_78 = arith.cmpi sgt, %scan3A_76, %sign3A : i32
      %sign3A_79 = arith.extui %sign3A_78 : i1 to i32
      %sign3A_80 = arith.constant 0 : i32
      %sign3A_81 = arith.cmpi slt, %scan3A_76, %sign3A_80 : i32
      %sign3A_82 = arith.extui %sign3A_81 : i1 to i32
      %sign3A_83 = arith.subi %sign3A_79, %sign3A_82 : i32
      %sign3A_84 = arith.constant 0 : i32
      %sign3A_85 = arith.cmpi sgt, %jit3A, %sign3A_84 : i32
      %sign3A_86 = arith.extui %sign3A_85 : i1 to i32
      %sign3A_87 = arith.constant 0 : i32
      %sign3A_88 = arith.cmpi slt, %jit3A, %sign3A_87 : i32
      %sign3A_89 = arith.extui %sign3A_88 : i1 to i32
      %sign3A_90 = arith.subi %sign3A_86, %sign3A_89 : i32
      %ne3A = arith.cmpi ne, %sign3A_83, %sign3A_90 : i32
      %rem3A = arith.remsi %scan3A_76, %jit3A : i32
      %ne3A_91 = arith.constant 0 : i32
      %ne3A_92 = arith.cmpi ne, %rem3A, %ne3A_91 : i32
      %and3A = arith.andi %ne3A, %ne3A_92 : i1
      %sub3A = arith.constant 1 : i32
      %sub3A_93 = arith.subi %div3A, %sub3A : i32
      %select_n3A = arith.select %and3A, %sub3A_93, %div3A : i32
      %mul3A_94 = arith.constant 4 : i32
      %mul3A_95 = arith.muli %select_n3A, %mul3A_94 : i32
      %sub3A_96 = arith.subi %scan3A_76, %mul3A_95 : i32
      %swap3A = arith.index_cast %select_n3A : i32 to index
      %swap3A_97 = arith.index_cast %sub3A_96 : i32 to index
      %swap3A_98 = arith.constant 0 : index
      %swap3A_99 = tpu.vector_load %arg6[%swap3A, %swap3A_97, %swap3A_98] {strides = array<i32>} : memref<21x4x128xf32, #tpu.memory_space<vmem>>, vector<16xf32>,
      tpu.vector_store %arg6[%swap3A, %swap3A_97, %swap3A_98], %broadcast_in_dim3A_8 {strides = array<i32>} : memref<21x4x128xf32, #tpu.memory_space<vmem>>, vector<16xf32>,
      %swap3A_100 = arith.index_cast %select_n3A : i32 to index
      %swap3A_101 = arith.index_cast %sub3A_96 : i32 to index
      %swap3A_102 = arith.constant 16 : index
      %swap3A_103 = tpu.vector_load %arg6[%swap3A_100, %swap3A_101, %swap3A_102] {strides = array<i32>} : memref<21x4x128xf32, #tpu.memory_space<vmem>>, vector<16xf32>,
      tpu.vector_store %arg6[%swap3A_100, %swap3A_101, %swap3A_102], %broadcast_in_dim3A_8 {strides = array<i32>} : memref<21x4x128xf32, #tpu.memory_space<vmem>>, vector<16xf32>,
      %swap3A_104 = arith.index_cast %select_n3A : i32 to index
      %swap3A_105 = arith.index_cast %sub3A_96 : i32 to index
      %swap3A_106 = arith.constant 32 : index
      %swap3A_107 = tpu.vector_load %arg6[%swap3A_104, %swap3A_105, %swap3A_106] {strides = array<i32>} : memref<21x4x128xf32, #tpu.memory_space<vmem>>, vector<16xf32>,
      tpu.vector_store %arg6[%swap3A_104, %swap3A_105, %swap3A_106], %broadcast_in_dim3A_8 {strides = array<i32>} : memref<21x4x128xf32, #tpu.memory_space<vmem>>, vector<16xf32>,
      %swap3A_108 = arith.index_cast %select_n3A : i32 to index
      %swap3A_109 = arith.index_cast %sub3A_96 : i32 to index
      %swap3A_110 = arith.constant 48 : index
      %swap3A_111 = tpu.vector_load %arg6[%swap3A_108, %swap3A_109, %swap3A_110] {strides = array<i32>} : memref<21x4x128xf32, #tpu.memory_space<vmem>>, vector<16xf32>,
      tpu.vector_store %arg6[%swap3A_108, %swap3A_109, %swap3A_110], %broadcast_in_dim3A_8 {strides = array<i32>} : memref<21x4x128xf32, #tpu.memory_space<vmem>>, vector<16xf32>,
      %swap3A_112 = arith.index_cast %select_n3A : i32 to index
      %swap3A_113 = arith.index_cast %sub3A_96 : i32 to index
      %swap3A_114 = arith.constant 64 : index
      %swap3A_115 = tpu.vector_load %arg6[%swap3A_112, %swap3A_113, %swap3A_114] {strides = array<i32>} : memref<21x4x128xf32, #tpu.memory_space<vmem>>, vector<16xf32>,
      tpu.vector_store %arg6[%swap3A_112, %swap3A_113, %swap3A_114], %broadcast_in_dim3A_8 {strides = array<i32>} : memref<21x4x128xf32, #tpu.memory_space<vmem>>, vector<16xf32>,
      %swap3A_116 = arith.index_cast %select_n3A : i32 to index
      %swap3A_117 = arith.index_cast %sub3A_96 : i32 to index
      %swap3A_118 = arith.constant 80 : index
      %swap3A_119 = tpu.vector_load %arg6[%swap3A_116, %swap3A_117, %swap3A_118] {strides = array<i32>} : memref<21x4x128xf32, #tpu.memory_space<vmem>>, vector<16xf32>,
      tpu.vector_store %arg6[%swap3A_116, %swap3A_117, %swap3A_118], %broadcast_in_dim3A_8 {strides = array<i32>} : memref<21x4x128xf32, #tpu.memory_space<vmem>>, vector<16xf32>,
      %swap3A_120 = arith.index_cast %select_n3A : i32 to index
      %swap3A_121 = arith.index_cast %sub3A_96 : i32 to index
      %swap3A_122 = arith.constant 96 : index
      %swap3A_123 = tpu.vector_load %arg6[%swap3A_120, %swap3A_121, %swap3A_122] {strides = array<i32>} : memref<21x4x128xf32, #tpu.memory_space<vmem>>, vector<16xf32>,
      tpu.vector_store %arg6[%swap3A_120, %swap3A_121, %swap3A_122], %broadcast_in_dim3A_8 {strides = array<i32>} : memref<21x4x128xf32, #tpu.memory_space<vmem>>, vector<16xf32>,
      %swap3A_124 = arith.index_cast %select_n3A : i32 to index
      %swap3A_125 = arith.index_cast %sub3A_96 : i32 to index
      %swap3A_126 = arith.constant 112 : index
      %swap3A_127 = tpu.vector_load %arg6[%swap3A_124, %swap3A_125, %swap3A_126] {strides = array<i32>} : memref<21x4x128xf32, #tpu.memory_space<vmem>>, vector<16xf32>,
      tpu.vector_store %arg6[%swap3A_124, %swap3A_125, %swap3A_126], %broadcast_in_dim3A_8 {strides = array<i32>} : memref<21x4x128xf32, #tpu.memory_space<vmem>>, vector<16xf32>,
      %scan3A_128 = arith.constant 0 : i32
      scf.yield %scan3A_128 : i32
    }
    %scan3A_37 = arith.constant 84 : i32
    %scan3A_38 = arith.constant 0 : i32
    %scan3A_39 = arith.constant 0 : i32
    %scan3A_40 = arith.constant 4 : i32
    %scan3A_41 = arith.addi %scan3A_39, %scan3A_40 : i32
    %scan3A_42 = arith.constant 1 : i32
    %scan3A_43 = scf.for %scan3A_76 = %scan3A_39 to %scan3A_41 step %scan3A_42 iter_args(%scan3A_77 = %scan3A_38) -> (i32)  : i32 {
      %add3A_78 = arith.constant 4 : i32
      %add3A_79 = arith.addi %add3A_78, %scan3A_76 : i32
      %mul3A_80 = arith.constant 128 : i32
      %mul3A_81 = arith.muli %add3A_79, %mul3A_80 : i32
      %broadcast_in_dim3A_82 = vector.broadcast %scan3A_76 : i32 to vector<16xi32>
      %add3A_83 = arith.constant 0 : i32
      %add3A_84 = arith.addi %mul3A_81, %add3A_83 : i32
      %get3A = arith.index_cast %add3A_84 : i32 to index
      %get3A_85 = tpu.vector_load %arg4[%get3A] {strides = array<i32>} : memref<16384xi32, #tpu.memory_space<vmem>>, vector<16xi32>,
      %add3A_86 = arith.constant 0 : i32
      %add3A_87 = vector.broadcast %add3A_86 : i32 to vector<16xi32>
      %add3A_88 = arith.addi %iota3A, %add3A_87 : vector<16xi32>
      tpu.vector_store_idx %arg6[%get3A_85, %broadcast_in_dim3A_82, %add3A_88], %broadcast_in_dim3A_6 : memref<21x4x128xf32, #tpu.memory_space<vmem>>[vector<16xi32>, vector<16xi32>, vector<16xi32>], vector<16xf32>,
      %add3A_89 = arith.constant 16 : i32
      %add3A_90 = arith.addi %mul3A_81, %add3A_89 : i32
      %get3A_91 = arith.index_cast %add3A_90 : i32 to index
      %get3A_92 = tpu.vector_load %arg4[%get3A_91] {strides = array<i32>} : memref<16384xi32, #tpu.memory_space<vmem>>, vector<16xi32>,
      %add3A_93 = arith.constant 16 : i32
      %add3A_94 = vector.broadcast %add3A_93 : i32 to vector<16xi32>
      %add3A_95 = arith.addi %iota3A, %add3A_94 : vector<16xi32>
      tpu.vector_store_idx %arg6[%get3A_92, %broadcast_in_dim3A_82, %add3A_95], %broadcast_in_dim3A_6 : memref<21x4x128xf32, #tpu.memory_space<vmem>>[vector<16xi32>, vector<16xi32>, vector<16xi32>], vector<16xf32>,
      %add3A_96 = arith.constant 32 : i32
      %add3A_97 = arith.addi %mul3A_81, %add3A_96 : i32
      %get3A_98 = arith.index_cast %add3A_97 : i32 to index
      %get3A_99 = tpu.vector_load %arg4[%get3A_98] {strides = array<i32>} : memref<16384xi32, #tpu.memory_space<vmem>>, vector<16xi32>,
      %add3A_100 = arith.constant 32 : i32
      %add3A_101 = vector.broadcast %add3A_100 : i32 to vector<16xi32>
      %add3A_102 = arith.addi %iota3A, %add3A_101 : vector<16xi32>
      tpu.vector_store_idx %arg6[%get3A_99, %broadcast_in_dim3A_82, %add3A_102], %broadcast_in_dim3A_6 : memref<21x4x128xf32, #tpu.memory_space<vmem>>[vector<16xi32>, vector<16xi32>, vector<16xi32>], vector<16xf32>,
      %add3A_103 = arith.constant 48 : i32
      %add3A_104 = arith.addi %mul3A_81, %add3A_103 : i32
      %get3A_105 = arith.index_cast %add3A_104 : i32 to index
      %get3A_106 = tpu.vector_load %arg4[%get3A_105] {strides = array<i32>} : memref<16384xi32, #tpu.memory_space<vmem>>, vector<16xi32>,
      %add3A_107 = arith.constant 48 : i32
      %add3A_108 = vector.broadcast %add3A_107 : i32 to vector<16xi32>
      %add3A_109 = arith.addi %iota3A, %add3A_108 : vector<16xi32>
      tpu.vector_store_idx %arg6[%get3A_106, %broadcast_in_dim3A_82, %add3A_109], %broadcast_in_dim3A_6 : memref<21x4x128xf32, #tpu.memory_space<vmem>>[vector<16xi32>, vector<16xi32>, vector<16xi32>], vector<16xf32>,
      %add3A_110 = arith.constant 64 : i32
      %add3A_111 = arith.addi %mul3A_81, %add3A_110 : i32
      %get3A_112 = arith.index_cast %add3A_111 : i32 to index
      %get3A_113 = tpu.vector_load %arg4[%get3A_112] {strides = array<i32>} : memref<16384xi32, #tpu.memory_space<vmem>>, vector<16xi32>,
      %add3A_114 = arith.constant 64 : i32
      %add3A_115 = vector.broadcast %add3A_114 : i32 to vector<16xi32>
      %add3A_116 = arith.addi %iota3A, %add3A_115 : vector<16xi32>
      tpu.vector_store_idx %arg6[%get3A_113, %broadcast_in_dim3A_82, %add3A_116], %broadcast_in_dim3A_6 : memref<21x4x128xf32, #tpu.memory_space<vmem>>[vector<16xi32>, vector<16xi32>, vector<16xi32>], vector<16xf32>,
      %add3A_117 = arith.constant 80 : i32
      %add3A_118 = arith.addi %mul3A_81, %add3A_117 : i32
      %get3A_119 = arith.index_cast %add3A_118 : i32 to index
      %get3A_120 = tpu.vector_load %arg4[%get3A_119] {strides = array<i32>} : memref<16384xi32, #tpu.memory_space<vmem>>, vector<16xi32>,
      %add3A_121 = arith.constant 80 : i32
      %add3A_122 = vector.broadcast %add3A_121 : i32 to vector<16xi32>
      %add3A_123 = arith.addi %iota3A, %add3A_122 : vector<16xi32>
      tpu.vector_store_idx %arg6[%get3A_120, %broadcast_in_dim3A_82, %add3A_123], %broadcast_in_dim3A_6 : memref<21x4x128xf32, #tpu.memory_space<vmem>>[vector<16xi32>, vector<16xi32>, vector<16xi32>], vector<16xf32>,
      %add3A_124 = arith.constant 96 : i32
      %add3A_125 = arith.addi %mul3A_81, %add3A_124 : i32
      %get3A_126 = arith.index_cast %add3A_125 : i32 to index
      %get3A_127 = tpu.vector_load %arg4[%get3A_126] {strides = array<i32>} : memref<16384xi32, #tpu.memory_space<vmem>>, vector<16xi32>,
      %add3A_128 = arith.constant 96 : i32
      %add3A_129 = vector.broadcast %add3A_128 : i32 to vector<16xi32>
      %add3A_130 = arith.addi %iota3A, %add3A_129 : vector<16xi32>
      tpu.vector_store_idx %arg6[%get3A_127, %broadcast_in_dim3A_82, %add3A_130], %broadcast_in_dim3A_6 : memref<21x4x128xf32, #tpu.memory_space<vmem>>[vector<16xi32>, vector<16xi32>, vector<16xi32>], vector<16xf32>,
      %add3A_131 = arith.constant 112 : i32
      %add3A_132 = arith.addi %mul3A_81, %add3A_131 : i32
      %get3A_133 = arith.index_cast %add3A_132 : i32 to index
      %get3A_134 = tpu.vector_load %arg4[%get3A_133] {strides = array<i32>} : memref<16384xi32, #tpu.memory_space<vmem>>, vector<16xi32>,
      %add3A_135 = arith.constant 112 : i32
      %add3A_136 = vector.broadcast %add3A_135 : i32 to vector<16xi32>
      %add3A_137 = arith.addi %iota3A, %add3A_136 : vector<16xi32>
      tpu.vector_store_idx %arg6[%get3A_134, %broadcast_in_dim3A_82, %add3A_137], %broadcast_in_dim3A_6 : memref<21x4x128xf32, #tpu.memory_space<vmem>>[vector<16xi32>, vector<16xi32>, vector<16xi32>], vector<16xf32>,
      %scan3A_138 = arith.constant 0 : i32
      scf.yield %scan3A_138 : i32
    }
    %scan3A_44 = arith.constant 4 : i32
    %add3A_45 = arith.constant 4 : i32
    %add3A_46 = arith.addi %mul3A_2, %add3A_45 : i32
    %dma_start3A_47 = arith.constant 0 : i32
    %dma_start3A_48 = arith.constant 0 : i32
    %dma_start3A_49 = tpu.memref_slice %arg3[%dma_start3A_47, %add3A_46, %dma_start3A_48] : memref<21x4096x128xf32, #tpu.memory_space<hbm>> -> memref<21x4x128xf32, #tpu.memory_space<hbm>>
    %dma_start3A_50 = arith.constant 0 : i32
    %dma_start3A_51 = arith.constant 0 : i32
    %dma_start3A_52 = tpu.memref_slice %arg3[%dma_start3A_50, %add3A_46, %dma_start3A_51] : memref<21x4096x128xf32, #tpu.memory_space<hbm>> -> memref<21x4x128xf32, #tpu.memory_space<hbm>>
    tpu.enqueue_dma source(%arg6 : memref<21x4x128xf32, #tpu.memory_space<vmem>>) target(%dma_start3A_52 : memref<21x4x128xf32, #tpu.memory_space<hbm>>) target_semaphore(%arg8 : memref<!tpu.dma_semaphore, #tpu.memory_space<semaphore_mem>>)
    %scan3A_53 = arith.constant 0 : i32
    %scan3A_54 = arith.constant 1 : i32
    %scan3A_55 = arith.constant 15 : i32
    %scan3A_56 = arith.addi %scan3A_54, %scan3A_55 : i32
    %scan3A_57 = arith.constant 1 : i32
    %scan3A_58 = scf.for %scan3A_76 = %scan3A_54 to %scan3A_56 step %scan3A_57 iter_args(%scan3A_77 = %scan3A_53) -> (i32)  : i32 {
      %mul3A_78 = arith.constant 2 : i32
      %mul3A_79 = arith.muli %mul3A_78, %scan3A_76 : i32
      %add3A_80 = arith.constant 0 : i32
      %add3A_81 = arith.addi %mul3A_79, %add3A_80 : i32
      %sub3A = arith.constant 2 : i32
      %sub3A_82 = arith.subi %add3A_81, %sub3A : i32
      %mul3A_83 = arith.constant 4 : i32
      %mul3A_84 = arith.muli %sub3A_82, %mul3A_83 : i32
      %add3A_85 = arith.addi %mul3A_2, %mul3A_84 : i32
      %dma_wait3A_86 = arith.constant 0 : i32
      %dma_wait3A_87 = arith.constant 0 : i32
      %dma_wait3A_88 = tpu.memref_slice %arg3[%dma_wait3A_86, %add3A_85, %dma_wait3A_87] : memref<21x4096x128xf32, #tpu.memory_space<hbm>> -> memref<21x4x128xf32, #tpu.memory_space<hbm>>
      %dma_wait3A_89 = arith.constant 0 : i32
      %dma_wait3A_90 = arith.constant 0 : i32
      %dma_wait3A_91 = tpu.memref_slice %arg3[%dma_wait3A_89, %add3A_85, %dma_wait3A_90] : memref<21x4096x128xf32, #tpu.memory_space<hbm>> -> memref<21x4x128xf32, #tpu.memory_space<hbm>>
      tpu.wait_dma2 semaphore(%arg7 : memref<!tpu.dma_semaphore, #tpu.memory_space<semaphore_mem>>) src(%arg5 : memref<21x4x128xf32, #tpu.memory_space<vmem>>) dst(%dma_wait3A_91 : memref<21x4x128xf32, #tpu.memory_space<hbm>>)
      %sub3A_92 = arith.constant 2 : i32
      %sub3A_93 = arith.subi %add3A_81, %sub3A_92 : i32
      %scan3A_94 = arith.constant 0 : i32
      %scan3A_95 = arith.constant 0 : i32
      %scan3A_96 = arith.constant 4 : i32
      %scan3A_97 = arith.addi %scan3A_95, %scan3A_96 : i32
      %scan3A_98 = arith.constant 1 : i32
      %scan3A_99 = scf.for %scan3A_144 = %scan3A_95 to %scan3A_97 step %scan3A_98 iter_args(%scan3A_145 = %scan3A_94) -> (i32)  : i32 {
        %broadcast_in_dim3A_146 = vector.broadcast %scan3A_144 : i32 to vector<16xi32>
        %mul3A_147 = arith.constant 4 : i32
        %mul3A_148 = arith.muli %sub3A_93, %mul3A_147 : i32
        %add3A_149 = arith.addi %mul3A_148, %scan3A_144 : i32
        %mul3A_150 = arith.constant 128 : i32
        %mul3A_151 = arith.muli %add3A_149, %mul3A_150 : i32
        %mul3A_152 = arith.constant 4 : i32
        %mul3A_153 = arith.muli %add3A_81, %mul3A_152 : i32
        %add3A_154 = arith.addi %mul3A_153, %scan3A_144 : i32
        %mul3A_155 = arith.constant 128 : i32
        %mul3A_156 = arith.muli %add3A_154, %mul3A_155 : i32
        %add3A_157 = arith.constant 0 : i32
        %add3A_158 = vector.broadcast %add3A_157 : i32 to vector<16xi32>
        %add3A_159 = arith.addi %iota3A, %add3A_158 : vector<16xi32>
        %add3A_160 = arith.constant 0 : i32
        %add3A_161 = arith.addi %mul3A_151, %add3A_160 : i32
        %get3A = arith.index_cast %add3A_161 : i32 to index
        %get3A_162 = tpu.vector_load %arg4[%get3A] {strides = array<i32>} : memref<16384xi32, #tpu.memory_space<vmem>>, vector<16xi32>,
        tpu.vector_store_idx %arg5[%get3A_162, %broadcast_in_dim3A_146, %add3A_159], %broadcast_in_dim3A_8 : memref<21x4x128xf32, #tpu.memory_space<vmem>>[vector<16xi32>, vector<16xi32>, vector<16xi32>], vector<16xf32>,
        %add3A_163 = arith.constant 0 : i32
        %add3A_164 = arith.addi %mul3A_156, %add3A_163 : i32
        %get3A_165 = arith.index_cast %add3A_164 : i32 to index
        %get3A_166 = tpu.vector_load %arg4[%get3A_165] {strides = array<i32>} : memref<16384xi32, #tpu.memory_space<vmem>>, vector<16xi32>,
        tpu.vector_store_idx %arg5[%get3A_166, %broadcast_in_dim3A_146, %add3A_159], %broadcast_in_dim3A_6 : memref<21x4x128xf32, #tpu.memory_space<vmem>>[vector<16xi32>, vector<16xi32>, vector<16xi32>], vector<16xf32>,
        %add3A_167 = arith.constant 16 : i32
        %add3A_168 = vector.broadcast %add3A_167 : i32 to vector<16xi32>
        %add3A_169 = arith.addi %iota3A, %add3A_168 : vector<16xi32>
        %add3A_170 = arith.constant 16 : i32
        %add3A_171 = arith.addi %mul3A_151, %add3A_170 : i32
        %get3A_172 = arith.index_cast %add3A_171 : i32 to index
        %get3A_173 = tpu.vector_load %arg4[%get3A_172] {strides = array<i32>} : memref<16384xi32, #tpu.memory_space<vmem>>, vector<16xi32>,
        tpu.vector_store_idx %arg5[%get3A_173, %broadcast_in_dim3A_146, %add3A_169], %broadcast_in_dim3A_8 : memref<21x4x128xf32, #tpu.memory_space<vmem>>[vector<16xi32>, vector<16xi32>, vector<16xi32>], vector<16xf32>,
        %add3A_174 = arith.constant 16 : i32
        %add3A_175 = arith.addi %mul3A_156, %add3A_174 : i32
        %get3A_176 = arith.index_cast %add3A_175 : i32 to index
        %get3A_177 = tpu.vector_load %arg4[%get3A_176] {strides = array<i32>} : memref<16384xi32, #tpu.memory_space<vmem>>, vector<16xi32>,
        tpu.vector_store_idx %arg5[%get3A_177, %broadcast_in_dim3A_146, %add3A_169], %broadcast_in_dim3A_6 : memref<21x4x128xf32, #tpu.memory_space<vmem>>[vector<16xi32>, vector<16xi32>, vector<16xi32>], vector<16xf32>,
        %add3A_178 = arith.constant 32 : i32
        %add3A_179 = vector.broadcast %add3A_178 : i32 to vector<16xi32>
        %add3A_180 = arith.addi %iota3A, %add3A_179 : vector<16xi32>
        %add3A_181 = arith.constant 32 : i32
        %add3A_182 = arith.addi %mul3A_151, %add3A_181 : i32
        %get3A_183 = arith.index_cast %add3A_182 : i32 to index
        %get3A_184 = tpu.vector_load %arg4[%get3A_183] {strides = array<i32>} : memref<16384xi32, #tpu.memory_space<vmem>>, vector<16xi32>,
        tpu.vector_store_idx %arg5[%get3A_184, %broadcast_in_dim3A_146, %add3A_180], %broadcast_in_dim3A_8 : memref<21x4x128xf32, #tpu.memory_space<vmem>>[vector<16xi32>, vector<16xi32>, vector<16xi32>], vector<16xf32>,
        %add3A_185 = arith.constant 32 : i32
        %add3A_186 = arith.addi %mul3A_156, %add3A_185 : i32
        %get3A_187 = arith.index_cast %add3A_186 : i32 to index
        %get3A_188 = tpu.vector_load %arg4[%get3A_187] {strides = array<i32>} : memref<16384xi32, #tpu.memory_space<vmem>>, vector<16xi32>,
        tpu.vector_store_idx %arg5[%get3A_188, %broadcast_in_dim3A_146, %add3A_180], %broadcast_in_dim3A_6 : memref<21x4x128xf32, #tpu.memory_space<vmem>>[vector<16xi32>, vector<16xi32>, vector<16xi32>], vector<16xf32>,
        %add3A_189 = arith.constant 48 : i32
        %add3A_190 = vector.broadcast %add3A_189 : i32 to vector<16xi32>
        %add3A_191 = arith.addi %iota3A, %add3A_190 : vector<16xi32>
        %add3A_192 = arith.constant 48 : i32
        %add3A_193 = arith.addi %mul3A_151, %add3A_192 : i32
        %get3A_194 = arith.index_cast %add3A_193 : i32 to index
        %get3A_195 = tpu.vector_load %arg4[%get3A_194] {strides = array<i32>} : memref<16384xi32, #tpu.memory_space<vmem>>, vector<16xi32>,
        tpu.vector_store_idx %arg5[%get3A_195, %broadcast_in_dim3A_146, %add3A_191], %broadcast_in_dim3A_8 : memref<21x4x128xf32, #tpu.memory_space<vmem>>[vector<16xi32>, vector<16xi32>, vector<16xi32>], vector<16xf32>,
        %add3A_196 = arith.constant 48 : i32
        %add3A_197 = arith.addi %mul3A_156, %add3A_196 : i32
        %get3A_198 = arith.index_cast %add3A_197 : i32 to index
        %get3A_199 = tpu.vector_load %arg4[%get3A_198] {strides = array<i32>} : memref<16384xi32, #tpu.memory_space<vmem>>, vector<16xi32>,
        tpu.vector_store_idx %arg5[%get3A_199, %broadcast_in_dim3A_146, %add3A_191], %broadcast_in_dim3A_6 : memref<21x4x128xf32, #tpu.memory_space<vmem>>[vector<16xi32>, vector<16xi32>, vector<16xi32>], vector<16xf32>,
        %add3A_200 = arith.constant 64 : i32
        %add3A_201 = vector.broadcast %add3A_200 : i32 to vector<16xi32>
        %add3A_202 = arith.addi %iota3A, %add3A_201 : vector<16xi32>
        %add3A_203 = arith.constant 64 : i32
        %add3A_204 = arith.addi %mul3A_151, %add3A_203 : i32
        %get3A_205 = arith.index_cast %add3A_204 : i32 to index
        %get3A_206 = tpu.vector_load %arg4[%get3A_205] {strides = array<i32>} : memref<16384xi32, #tpu.memory_space<vmem>>, vector<16xi32>,
        tpu.vector_store_idx %arg5[%get3A_206, %broadcast_in_dim3A_146, %add3A_202], %broadcast_in_dim3A_8 : memref<21x4x128xf32, #tpu.memory_space<vmem>>[vector<16xi32>, vector<16xi32>, vector<16xi32>], vector<16xf32>,
        %add3A_207 = arith.constant 64 : i32
        %add3A_208 = arith.addi %mul3A_156, %add3A_207 : i32
        %get3A_209 = arith.index_cast %add3A_208 : i32 to index
        %get3A_210 = tpu.vector_load %arg4[%get3A_209] {strides = array<i32>} : memref<16384xi32, #tpu.memory_space<vmem>>, vector<16xi32>,
        tpu.vector_store_idx %arg5[%get3A_210, %broadcast_in_dim3A_146, %add3A_202], %broadcast_in_dim3A_6 : memref<21x4x128xf32, #tpu.memory_space<vmem>>[vector<16xi32>, vector<16xi32>, vector<16xi32>], vector<16xf32>,
        %add3A_211 = arith.constant 80 : i32
        %add3A_212 = vector.broadcast %add3A_211 : i32 to vector<16xi32>
        %add3A_213 = arith.addi %iota3A, %add3A_212 : vector<16xi32>
        %add3A_214 = arith.constant 80 : i32
        %add3A_215 = arith.addi %mul3A_151, %add3A_214 : i32
        %get3A_216 = arith.index_cast %add3A_215 : i32 to index
        %get3A_217 = tpu.vector_load %arg4[%get3A_216] {strides = array<i32>} : memref<16384xi32, #tpu.memory_space<vmem>>, vector<16xi32>,
        tpu.vector_store_idx %arg5[%get3A_217, %broadcast_in_dim3A_146, %add3A_213], %broadcast_in_dim3A_8 : memref<21x4x128xf32, #tpu.memory_space<vmem>>[vector<16xi32>, vector<16xi32>, vector<16xi32>], vector<16xf32>,
        %add3A_218 = arith.constant 80 : i32
        %add3A_219 = arith.addi %mul3A_156, %add3A_218 : i32
        %get3A_220 = arith.index_cast %add3A_219 : i32 to index
        %get3A_221 = tpu.vector_load %arg4[%get3A_220] {strides = array<i32>} : memref<16384xi32, #tpu.memory_space<vmem>>, vector<16xi32>,
        tpu.vector_store_idx %arg5[%get3A_221, %broadcast_in_dim3A_146, %add3A_213], %broadcast_in_dim3A_6 : memref<21x4x128xf32, #tpu.memory_space<vmem>>[vector<16xi32>, vector<16xi32>, vector<16xi32>], vector<16xf32>,
        %add3A_222 = arith.constant 96 : i32
        %add3A_223 = vector.broadcast %add3A_222 : i32 to vector<16xi32>
        %add3A_224 = arith.addi %iota3A, %add3A_223 : vector<16xi32>
        %add3A_225 = arith.constant 96 : i32
        %add3A_226 = arith.addi %mul3A_151, %add3A_225 : i32
        %get3A_227 = arith.index_cast %add3A_226 : i32 to index
        %get3A_228 = tpu.vector_load %arg4[%get3A_227] {strides = array<i32>} : memref<16384xi32, #tpu.memory_space<vmem>>, vector<16xi32>,
        tpu.vector_store_idx %arg5[%get3A_228, %broadcast_in_dim3A_146, %add3A_224], %broadcast_in_dim3A_8 : memref<21x4x128xf32, #tpu.memory_space<vmem>>[vector<16xi32>, vector<16xi32>, vector<16xi32>], vector<16xf32>,
        %add3A_229 = arith.constant 96 : i32
        %add3A_230 = arith.addi %mul3A_156, %add3A_229 : i32
        %get3A_231 = arith.index_cast %add3A_230 : i32 to index
        %get3A_232 = tpu.vector_load %arg4[%get3A_231] {strides = array<i32>} : memref<16384xi32, #tpu.memory_space<vmem>>, vector<16xi32>,
        tpu.vector_store_idx %arg5[%get3A_232, %broadcast_in_dim3A_146, %add3A_224], %broadcast_in_dim3A_6 : memref<21x4x128xf32, #tpu.memory_space<vmem>>[vector<16xi32>, vector<16xi32>, vector<16xi32>], vector<16xf32>,
        %add3A_233 = arith.constant 112 : i32
        %add3A_234 = vector.broadcast %add3A_233 : i32 to vector<16xi32>
        %add3A_235 = arith.addi %iota3A, %add3A_234 : vector<16xi32>
        %add3A_236 = arith.constant 112 : i32
        %add3A_237 = arith.addi %mul3A_151, %add3A_236 : i32
        %get3A_238 = arith.index_cast %add3A_237 : i32 to index
        %get3A_239 = tpu.vector_load %arg4[%get3A_238] {strides = array<i32>} : memref<16384xi32, #tpu.memory_space<vmem>>, vector<16xi32>,
        tpu.vector_store_idx %arg5[%get3A_239, %broadcast_in_dim3A_146, %add3A_235], %broadcast_in_dim3A_8 : memref<21x4x128xf32, #tpu.memory_space<vmem>>[vector<16xi32>, vector<16xi32>, vector<16xi32>], vector<16xf32>,
        %add3A_240 = arith.constant 112 : i32
        %add3A_241 = arith.addi %mul3A_156, %add3A_240 : i32
        %get3A_242 = arith.index_cast %add3A_241 : i32 to index
        %get3A_243 = tpu.vector_load %arg4[%get3A_242] {strides = array<i32>} : memref<16384xi32, #tpu.memory_space<vmem>>, vector<16xi32>,
        tpu.vector_store_idx %arg5[%get3A_243, %broadcast_in_dim3A_146, %add3A_235], %broadcast_in_dim3A_6 : memref<21x4x128xf32, #tpu.memory_space<vmem>>[vector<16xi32>, vector<16xi32>, vector<16xi32>], vector<16xf32>,
        %scan3A_244 = arith.constant 0 : i32
        scf.yield %scan3A_244 : i32
      }
      %scan3A_100 = arith.constant 4 : i32
      %mul3A_101 = arith.constant 4 : i32
      %mul3A_102 = arith.muli %add3A_81, %mul3A_101 : i32
      %add3A_103 = arith.addi %mul3A_2, %mul3A_102 : i32
      %dma_start3A_104 = arith.constant 0 : i32
      %dma_start3A_105 = arith.constant 0 : i32
      %dma_start3A_106 = tpu.memref_slice %arg3[%dma_start3A_104, %add3A_103, %dma_start3A_105] : memref<21x4096x128xf32, #tpu.memory_space<hbm>> -> memref<21x4x128xf32, #tpu.memory_space<hbm>>
      %dma_start3A_107 = arith.constant 0 : i32
      %dma_start3A_108 = arith.constant 0 : i32
      %dma_start3A_109 = tpu.memref_slice %arg3[%dma_start3A_107, %add3A_103, %dma_start3A_108] : memref<21x4096x128xf32, #tpu.memory_space<hbm>> -> memref<21x4x128xf32, #tpu.memory_space<hbm>>
      tpu.enqueue_dma source(%arg5 : memref<21x4x128xf32, #tpu.memory_space<vmem>>) target(%dma_start3A_109 : memref<21x4x128xf32, #tpu.memory_space<hbm>>) target_semaphore(%arg7 : memref<!tpu.dma_semaphore, #tpu.memory_space<semaphore_mem>>)
      %mul3A_110 = arith.constant 2 : i32
      %mul3A_111 = arith.muli %mul3A_110, %scan3A_76 : i32
      %add3A_112 = arith.constant 1 : i32
      %add3A_113 = arith.addi %mul3A_111, %add3A_112 : i32
      %sub3A_114 = arith.constant 2 : i32
      %sub3A_115 = arith.subi %add3A_113, %sub3A_114 : i32
      %mul3A_116 = arith.constant 4 : i32
      %mul3A_117 = arith.muli %sub3A_115, %mul3A_116 : i32
      %add3A_118 = arith.addi %mul3A_2, %mul3A_117 : i32
      %dma_wait3A_119 = arith.constant 0 : i32
      %dma_wait3A_120 = arith.constant 0 : i32
      %dma_wait3A_121 = tpu.memref_slice %arg3[%dma_wait3A_119, %add3A_118, %dma_wait3A_120] : memref<21x4096x128xf32, #tpu.memory_space<hbm>> -> memref<21x4x128xf32, #tpu.memory_space<hbm>>
      %dma_wait3A_122 = arith.constant 0 : i32
      %dma_wait3A_123 = arith.constant 0 : i32
      %dma_wait3A_124 = tpu.memref_slice %arg3[%dma_wait3A_122, %add3A_118, %dma_wait3A_123] : memref<21x4096x128xf32, #tpu.memory_space<hbm>> -> memref<21x4x128xf32, #tpu.memory_space<hbm>>
      tpu.wait_dma2 semaphore(%arg8 : memref<!tpu.dma_semaphore, #tpu.memory_space<semaphore_mem>>) src(%arg6 : memref<21x4x128xf32, #tpu.memory_space<vmem>>) dst(%dma_wait3A_124 : memref<21x4x128xf32, #tpu.memory_space<hbm>>)
      %sub3A_125 = arith.constant 2 : i32
      %sub3A_126 = arith.subi %add3A_113, %sub3A_125 : i32
      %scan3A_127 = arith.constant 0 : i32
      %scan3A_128 = arith.constant 0 : i32
      %scan3A_129 = arith.constant 4 : i32
      %scan3A_130 = arith.addi %scan3A_128, %scan3A_129 : i32
      %scan3A_131 = arith.constant 1 : i32
      %scan3A_132 = scf.for %scan3A_144 = %scan3A_128 to %scan3A_130 step %scan3A_131 iter_args(%scan3A_145 = %scan3A_127) -> (i32)  : i32 {
        %broadcast_in_dim3A_146 = vector.broadcast %scan3A_144 : i32 to vector<16xi32>
        %mul3A_147 = arith.constant 4 : i32
        %mul3A_148 = arith.muli %sub3A_126, %mul3A_147 : i32
        %add3A_149 = arith.addi %mul3A_148, %scan3A_144 : i32
        %mul3A_150 = arith.constant 128 : i32
        %mul3A_151 = arith.muli %add3A_149, %mul3A_150 : i32
        %mul3A_152 = arith.constant 4 : i32
        %mul3A_153 = arith.muli %add3A_113, %mul3A_152 : i32
        %add3A_154 = arith.addi %mul3A_153, %scan3A_144 : i32
        %mul3A_155 = arith.constant 128 : i32
        %mul3A_156 = arith.muli %add3A_154, %mul3A_155 : i32
        %add3A_157 = arith.constant 0 : i32
        %add3A_158 = vector.broadcast %add3A_157 : i32 to vector<16xi32>
        %add3A_159 = arith.addi %iota3A, %add3A_158 : vector<16xi32>
        %add3A_160 = arith.constant 0 : i32
        %add3A_161 = arith.addi %mul3A_151, %add3A_160 : i32
        %get3A = arith.index_cast %add3A_161 : i32 to index
        %get3A_162 = tpu.vector_load %arg4[%get3A] {strides = array<i32>} : memref<16384xi32, #tpu.memory_space<vmem>>, vector<16xi32>,
        tpu.vector_store_idx %arg6[%get3A_162, %broadcast_in_dim3A_146, %add3A_159], %broadcast_in_dim3A_8 : memref<21x4x128xf32, #tpu.memory_space<vmem>>[vector<16xi32>, vector<16xi32>, vector<16xi32>], vector<16xf32>,
        %add3A_163 = arith.constant 0 : i32
        %add3A_164 = arith.addi %mul3A_156, %add3A_163 : i32
        %get3A_165 = arith.index_cast %add3A_164 : i32 to index
        %get3A_166 = tpu.vector_load %arg4[%get3A_165] {strides = array<i32>} : memref<16384xi32, #tpu.memory_space<vmem>>, vector<16xi32>,
        tpu.vector_store_idx %arg6[%get3A_166, %broadcast_in_dim3A_146, %add3A_159], %broadcast_in_dim3A_6 : memref<21x4x128xf32, #tpu.memory_space<vmem>>[vector<16xi32>, vector<16xi32>, vector<16xi32>], vector<16xf32>,
        %add3A_167 = arith.constant 16 : i32
        %add3A_168 = vector.broadcast %add3A_167 : i32 to vector<16xi32>
        %add3A_169 = arith.addi %iota3A, %add3A_168 : vector<16xi32>
        %add3A_170 = arith.constant 16 : i32
        %add3A_171 = arith.addi %mul3A_151, %add3A_170 : i32
        %get3A_172 = arith.index_cast %add3A_171 : i32 to index
        %get3A_173 = tpu.vector_load %arg4[%get3A_172] {strides = array<i32>} : memref<16384xi32, #tpu.memory_space<vmem>>, vector<16xi32>,
        tpu.vector_store_idx %arg6[%get3A_173, %broadcast_in_dim3A_146, %add3A_169], %broadcast_in_dim3A_8 : memref<21x4x128xf32, #tpu.memory_space<vmem>>[vector<16xi32>, vector<16xi32>, vector<16xi32>], vector<16xf32>,
        %add3A_174 = arith.constant 16 : i32
        %add3A_175 = arith.addi %mul3A_156, %add3A_174 : i32
        %get3A_176 = arith.index_cast %add3A_175 : i32 to index
        %get3A_177 = tpu.vector_load %arg4[%get3A_176] {strides = array<i32>} : memref<16384xi32, #tpu.memory_space<vmem>>, vector<16xi32>,
        tpu.vector_store_idx %arg6[%get3A_177, %broadcast_in_dim3A_146, %add3A_169], %broadcast_in_dim3A_6 : memref<21x4x128xf32, #tpu.memory_space<vmem>>[vector<16xi32>, vector<16xi32>, vector<16xi32>], vector<16xf32>,
        %add3A_178 = arith.constant 32 : i32
        %add3A_179 = vector.broadcast %add3A_178 : i32 to vector<16xi32>
        %add3A_180 = arith.addi %iota3A, %add3A_179 : vector<16xi32>
        %add3A_181 = arith.constant 32 : i32
        %add3A_182 = arith.addi %mul3A_151, %add3A_181 : i32
        %get3A_183 = arith.index_cast %add3A_182 : i32 to index
        %get3A_184 = tpu.vector_load %arg4[%get3A_183] {strides = array<i32>} : memref<16384xi32, #tpu.memory_space<vmem>>, vector<16xi32>,
        tpu.vector_store_idx %arg6[%get3A_184, %broadcast_in_dim3A_146, %add3A_180], %broadcast_in_dim3A_8 : memref<21x4x128xf32, #tpu.memory_space<vmem>>[vector<16xi32>, vector<16xi32>, vector<16xi32>], vector<16xf32>,
        %add3A_185 = arith.constant 32 : i32
        %add3A_186 = arith.addi %mul3A_156, %add3A_185 : i32
        %get3A_187 = arith.index_cast %add3A_186 : i32 to index
        %get3A_188 = tpu.vector_load %arg4[%get3A_187] {strides = array<i32>} : memref<16384xi32, #tpu.memory_space<vmem>>, vector<16xi32>,
        tpu.vector_store_idx %arg6[%get3A_188, %broadcast_in_dim3A_146, %add3A_180], %broadcast_in_dim3A_6 : memref<21x4x128xf32, #tpu.memory_space<vmem>>[vector<16xi32>, vector<16xi32>, vector<16xi32>], vector<16xf32>,
        %add3A_189 = arith.constant 48 : i32
        %add3A_190 = vector.broadcast %add3A_189 : i32 to vector<16xi32>
        %add3A_191 = arith.addi %iota3A, %add3A_190 : vector<16xi32>
        %add3A_192 = arith.constant 48 : i32
        %add3A_193 = arith.addi %mul3A_151, %add3A_192 : i32
        %get3A_194 = arith.index_cast %add3A_193 : i32 to index
        %get3A_195 = tpu.vector_load %arg4[%get3A_194] {strides = array<i32>} : memref<16384xi32, #tpu.memory_space<vmem>>, vector<16xi32>,
        tpu.vector_store_idx %arg6[%get3A_195, %broadcast_in_dim3A_146, %add3A_191], %broadcast_in_dim3A_8 : memref<21x4x128xf32, #tpu.memory_space<vmem>>[vector<16xi32>, vector<16xi32>, vector<16xi32>], vector<16xf32>,
        %add3A_196 = arith.constant 48 : i32
        %add3A_197 = arith.addi %mul3A_156, %add3A_196 : i32
        %get3A_198 = arith.index_cast %add3A_197 : i32 to index
        %get3A_199 = tpu.vector_load %arg4[%get3A_198] {strides = array<i32>} : memref<16384xi32, #tpu.memory_space<vmem>>, vector<16xi32>,
        tpu.vector_store_idx %arg6[%get3A_199, %broadcast_in_dim3A_146, %add3A_191], %broadcast_in_dim3A_6 : memref<21x4x128xf32, #tpu.memory_space<vmem>>[vector<16xi32>, vector<16xi32>, vector<16xi32>], vector<16xf32>,
        %add3A_200 = arith.constant 64 : i32
        %add3A_201 = vector.broadcast %add3A_200 : i32 to vector<16xi32>
        %add3A_202 = arith.addi %iota3A, %add3A_201 : vector<16xi32>
        %add3A_203 = arith.constant 64 : i32
        %add3A_204 = arith.addi %mul3A_151, %add3A_203 : i32
        %get3A_205 = arith.index_cast %add3A_204 : i32 to index
        %get3A_206 = tpu.vector_load %arg4[%get3A_205] {strides = array<i32>} : memref<16384xi32, #tpu.memory_space<vmem>>, vector<16xi32>,
        tpu.vector_store_idx %arg6[%get3A_206, %broadcast_in_dim3A_146, %add3A_202], %broadcast_in_dim3A_8 : memref<21x4x128xf32, #tpu.memory_space<vmem>>[vector<16xi32>, vector<16xi32>, vector<16xi32>], vector<16xf32>,
        %add3A_207 = arith.constant 64 : i32
        %add3A_208 = arith.addi %mul3A_156, %add3A_207 : i32
        %get3A_209 = arith.index_cast %add3A_208 : i32 to index
        %get3A_210 = tpu.vector_load %arg4[%get3A_209] {strides = array<i32>} : memref<16384xi32, #tpu.memory_space<vmem>>, vector<16xi32>,
        tpu.vector_store_idx %arg6[%get3A_210, %broadcast_in_dim3A_146, %add3A_202], %broadcast_in_dim3A_6 : memref<21x4x128xf32, #tpu.memory_space<vmem>>[vector<16xi32>, vector<16xi32>, vector<16xi32>], vector<16xf32>,
        %add3A_211 = arith.constant 80 : i32
        %add3A_212 = vector.broadcast %add3A_211 : i32 to vector<16xi32>
        %add3A_213 = arith.addi %iota3A, %add3A_212 : vector<16xi32>
        %add3A_214 = arith.constant 80 : i32
        %add3A_215 = arith.addi %mul3A_151, %add3A_214 : i32
        %get3A_216 = arith.index_cast %add3A_215 : i32 to index
        %get3A_217 = tpu.vector_load %arg4[%get3A_216] {strides = array<i32>} : memref<16384xi32, #tpu.memory_space<vmem>>, vector<16xi32>,
        tpu.vector_store_idx %arg6[%get3A_217, %broadcast_in_dim3A_146, %add3A_213], %broadcast_in_dim3A_8 : memref<21x4x128xf32, #tpu.memory_space<vmem>>[vector<16xi32>, vector<16xi32>, vector<16xi32>], vector<16xf32>,
        %add3A_218 = arith.constant 80 : i32
        %add3A_219 = arith.addi %mul3A_156, %add3A_218 : i32
        %get3A_220 = arith.index_cast %add3A_219 : i32 to index
        %get3A_221 = tpu.vector_load %arg4[%get3A_220] {strides = array<i32>} : memref<16384xi32, #tpu.memory_space<vmem>>, vector<16xi32>,
        tpu.vector_store_idx %arg6[%get3A_221, %broadcast_in_dim3A_146, %add3A_213], %broadcast_in_dim3A_6 : memref<21x4x128xf32, #tpu.memory_space<vmem>>[vector<16xi32>, vector<16xi32>, vector<16xi32>], vector<16xf32>,
        %add3A_222 = arith.constant 96 : i32
        %add3A_223 = vector.broadcast %add3A_222 : i32 to vector<16xi32>
        %add3A_224 = arith.addi %iota3A, %add3A_223 : vector<16xi32>
        %add3A_225 = arith.constant 96 : i32
        %add3A_226 = arith.addi %mul3A_151, %add3A_225 : i32
        %get3A_227 = arith.index_cast %add3A_226 : i32 to index
        %get3A_228 = tpu.vector_load %arg4[%get3A_227] {strides = array<i32>} : memref<16384xi32, #tpu.memory_space<vmem>>, vector<16xi32>,
        tpu.vector_store_idx %arg6[%get3A_228, %broadcast_in_dim3A_146, %add3A_224], %broadcast_in_dim3A_8 : memref<21x4x128xf32, #tpu.memory_space<vmem>>[vector<16xi32>, vector<16xi32>, vector<16xi32>], vector<16xf32>,
        %add3A_229 = arith.constant 96 : i32
        %add3A_230 = arith.addi %mul3A_156, %add3A_229 : i32
        %get3A_231 = arith.index_cast %add3A_230 : i32 to index
        %get3A_232 = tpu.vector_load %arg4[%get3A_231] {strides = array<i32>} : memref<16384xi32, #tpu.memory_space<vmem>>, vector<16xi32>,
        tpu.vector_store_idx %arg6[%get3A_232, %broadcast_in_dim3A_146, %add3A_224], %broadcast_in_dim3A_6 : memref<21x4x128xf32, #tpu.memory_space<vmem>>[vector<16xi32>, vector<16xi32>, vector<16xi32>], vector<16xf32>,
        %add3A_233 = arith.constant 112 : i32
        %add3A_234 = vector.broadcast %add3A_233 : i32 to vector<16xi32>
        %add3A_235 = arith.addi %iota3A, %add3A_234 : vector<16xi32>
        %add3A_236 = arith.constant 112 : i32
        %add3A_237 = arith.addi %mul3A_151, %add3A_236 : i32
        %get3A_238 = arith.index_cast %add3A_237 : i32 to index
        %get3A_239 = tpu.vector_load %arg4[%get3A_238] {strides = array<i32>} : memref<16384xi32, #tpu.memory_space<vmem>>, vector<16xi32>,
        tpu.vector_store_idx %arg6[%get3A_239, %broadcast_in_dim3A_146, %add3A_235], %broadcast_in_dim3A_8 : memref<21x4x128xf32, #tpu.memory_space<vmem>>[vector<16xi32>, vector<16xi32>, vector<16xi32>], vector<16xf32>,
        %add3A_240 = arith.constant 112 : i32
        %add3A_241 = arith.addi %mul3A_156, %add3A_240 : i32
        %get3A_242 = arith.index_cast %add3A_241 : i32 to index
        %get3A_243 = tpu.vector_load %arg4[%get3A_242] {strides = array<i32>} : memref<16384xi32, #tpu.memory_space<vmem>>, vector<16xi32>,
        tpu.vector_store_idx %arg6[%get3A_243, %broadcast_in_dim3A_146, %add3A_235], %broadcast_in_dim3A_6 : memref<21x4x128xf32, #tpu.memory_space<vmem>>[vector<16xi32>, vector<16xi32>, vector<16xi32>], vector<16xf32>,
        %scan3A_244 = arith.constant 0 : i32
        scf.yield %scan3A_244 : i32
      }
      %scan3A_133 = arith.constant 4 : i32
      %mul3A_134 = arith.constant 4 : i32
      %mul3A_135 = arith.muli %add3A_113, %mul3A_134 : i32
      %add3A_136 = arith.addi %mul3A_2, %mul3A_135 : i32
      %dma_start3A_137 = arith.constant 0 : i32
      %dma_start3A_138 = arith.constant 0 : i32
      %dma_start3A_139 = tpu.memref_slice %arg3[%dma_start3A_137, %add3A_136, %dma_start3A_138] : memref<21x4096x128xf32, #tpu.memory_space<hbm>> -> memref<21x4x128xf32, #tpu.memory_space<hbm>>
      %dma_start3A_140 = arith.constant 0 : i32
      %dma_start3A_141 = arith.constant 0 : i32
      %dma_start3A_142 = tpu.memref_slice %arg3[%dma_start3A_140, %add3A_136, %dma_start3A_141] : memref<21x4096x128xf32, #tpu.memory_space<hbm>> -> memref<21x4x128xf32, #tpu.memory_space<hbm>>
      tpu.enqueue_dma source(%arg6 : memref<21x4x128xf32, #tpu.memory_space<vmem>>) target(%dma_start3A_142 : memref<21x4x128xf32, #tpu.memory_space<hbm>>) target_semaphore(%arg8 : memref<!tpu.dma_semaphore, #tpu.memory_space<semaphore_mem>>)
      %scan3A_143 = arith.constant 0 : i32
      scf.yield %scan3A_143 : i32
    }
    %scan3A_59 = arith.constant 15 : i32
    %add3A_60 = arith.constant 120 : i32
    %add3A_61 = arith.addi %mul3A_2, %add3A_60 : i32
    %dma_wait3A_62 = arith.constant 0 : i32
    %dma_wait3A_63 = arith.constant 0 : i32
    %dma_wait3A_64 = tpu.memref_slice %arg3[%dma_wait3A_62, %add3A_61, %dma_wait3A_63] : memref<21x4096x128xf32, #tpu.memory_space<hbm>> -> memref<21x4x128xf32, #tpu.memory_space<hbm>>
    %dma_wait3A_65 = arith.constant 0 : i32
    %dma_wait3A_66 = arith.constant 0 : i32
    %dma_wait3A_67 = tpu.memref_slice %arg3[%dma_wait3A_65, %add3A_61, %dma_wait3A_66] : memref<21x4096x128xf32, #tpu.memory_space<hbm>> -> memref<21x4x128xf32, #tpu.memory_space<hbm>>
    tpu.wait_dma2 semaphore(%arg7 : memref<!tpu.dma_semaphore, #tpu.memory_space<semaphore_mem>>) src(%arg5 : memref<21x4x128xf32, #tpu.memory_space<vmem>>) dst(%dma_wait3A_67 : memref<21x4x128xf32, #tpu.memory_space<hbm>>)
    %add3A_68 = arith.constant 124 : i32
    %add3A_69 = arith.addi %mul3A_2, %add3A_68 : i32
    %dma_wait3A_70 = arith.constant 0 : i32
    %dma_wait3A_71 = arith.constant 0 : i32
    %dma_wait3A_72 = tpu.memref_slice %arg3[%dma_wait3A_70, %add3A_69, %dma_wait3A_71] : memref<21x4096x128xf32, #tpu.memory_space<hbm>> -> memref<21x4x128xf32, #tpu.memory_space<hbm>>
    %dma_wait3A_73 = arith.constant 0 : i32
    %dma_wait3A_74 = arith.constant 0 : i32
    %dma_wait3A_75 = tpu.memref_slice %arg3[%dma_wait3A_73, %add3A_69, %dma_wait3A_74] : memref<21x4096x128xf32, #tpu.memory_space<hbm>> -> memref<21x4x128xf32, #tpu.memory_space<hbm>>
    tpu.wait_dma2 semaphore(%arg8 : memref<!tpu.dma_semaphore, #tpu.memory_space<semaphore_mem>>) src(%arg6 : memref<21x4x128xf32, #tpu.memory_space<vmem>>) dst(%dma_wait3A_75 : memref<21x4x128xf32, #tpu.memory_space<hbm>>)
    return
  }
}

</mosaic_0001>

<sc_bundles>
// kernel: _one_hot_sc.3.cloned.1.call-start
scs
__scs_entry_jumppad:
0x0: {  	(pc) =	sbr.rel $0x88, $3  }
0x1: {  	(tag) =	ssettag $0x0;
	lr =	simm.s32 $0x1  }
0x2: {  	[smem:$0x3FA0] =	sst lr;
	_ =	strace $0xD0000000  }
0x3: {  	_ = 	snop  }
0x4: {  	_ = 	snop  }
0x5: {  	_ = 	snop  }
0x6: {  	_ = 	snop  }
0x7: {  	_ = 	snop  }
__scs_overlays_trampoline_lowered:
0x8: {  	[smem:$0x3FAF] =	sst s0  }
0x9: {  	[smem:$0x3FB0] =	sst s1  }
0xa: {  	[smem:$0x3FB1] =	sst s2  }
0xb: {  	[smem:$0x3FB2] =	sst s3  }
0xc: {  	[smem:$0x3FB3] =	sst s4  }
0xd: {  	[smem:$0x3FB4] =	sst s5  }
0xe: {  	[smem:$0x3FB5] =	sst s6  }
0xf: {  	[smem:$0x3FB6] =	sst s7  }
0x10: {  	[smem:$0x3FB7] =	sst s8  }
0x11: {  	[smem:$0x3FB8] =	sst s9;
	s0 =	simm.s32 @!p0 $0x0  }
0x12: {  	s1 =	sld [smem:$0x3F9E];
	s0 =	simm.s32 @p0 $0x1  }
0x13: {  	[smem:$0x3FB9] =	sst s0;
	s0 =	simm.s32 @!p1 $0x0  }
0x14: {  	s2 =	sld [smem:$0x3F9D];
	s0 =	simm.s32 @p1 $0x1  }
0x15: {  	[smem:$0x3FBA] =	sst s0;
	s0 =	simm.s32 @!p2 $0x0  }
0x16: {  	s3 =	sld [smem:$0x3FDB];
	s0 =	simm.s32 @p2 $0x1  }
0x17: {  	s4 =	simm.s32 $0x1BF5;
	[smem:$0x3FBC] =	sst s0  }
0x18: {  	s0 =	sld [smem:$0x3F9F];
	_ =	swait.ge [sflag:s4], $0x0  }
0x19: {  	s7 =	sld [smem:$0x3FA0]  }
0x1a: {  	s8 =	sadd.s32 $0xFFFFE003, lr  }
0x1b: {  	s9 =	sadd.s32 $0xFFFFFEF7, lr;
	s5 =	simm.s32 $0xFFFFFFFF;
	p2 =	slt.u32 s8, $0xFFFFF086  }
0x1c: {  	p1 =	slt.u32 s9, $0xF7A;
	s5 =	simm.s32 @!p2 $0x0  }
0x1d: {  	s5 =	simm.s32 @p1 $0x1;
	p0 =	seq.s32 s7, s2  }
0x1e: {  	s7 =	smul.u32 @!p0 $0xF7A, s2;
	p2 =	seq.s32 @!p0 s5, $0x0  }
0x1f: {  	s9 =	smul.u32 $0xF7A, s1;
	s8 =	simm.s32 @!p0 $0x1BF5;
	p2 =	por !p2, p0  }
0x20: {  	[sflag:s8] =	ssyncset.s32 @!p0 $0xFFFFF086;
	s6 =	sadd.s32 @!p0 s3, s7;
	s7 =	simm.s32 @!p0 $0x108  }
0x21: {  	s3 =	sadd.s32 s3, s9;
	s6 =	sadd.s32 @!p0 $0x88, s6;
	s7 =	simm.s32 @p2 $0x1082  }
0x22: {  	[simem:s7], [sflag:s8] =	dma.local @!p0 [hbm:s6], $0xF7A  }
0x23: {  	s9 =	sor.u32 $0xD0000000, s2;
	s6 =	simm.s32 $0x108;
	_ =	swait.ge @!p0 [sflag:s8], $0x0  }
0x24: {  	s3 =	sadd.s32 $0x88, s3;
	s6 =	simm.s32 @!p1 $0x1082;
	[sflag:s4] =	ssyncset.s32 $0xFFFFF086  }
0x25: {  	[simem:s6], [sflag:s4] =	dma.local [hbm:s3], $0xF7A  }
0x26: {  	[smem:$0x3FA0] =	sst s1;
	(tag) =	ssettag s2;
	_ =	strace s9  }
0x27: {  	s1 =	sld [smem:$0x3FB0]  }
0x28: {  	s2 =	sld [smem:$0x3FB1]  }
0x29: {  	s4 =	sld [smem:$0x3FB3]  }
0x2a: {  	p0 =	seq.s32 s5, $0x0;
	s5 =	sld [smem:$0x3FB4]  }
0x2b: {  	s6 =	sld [smem:$0x3FB5]  }
0x2c: {  	s7 =	sld [smem:$0x3FB6]  }
0x2d: {  	s3 =	simm.s32 $0x108;
	s8 =	sld [smem:$0x3FB7]  }
0x2e: {  	s3 =	simm.s32 @!p0 $0x1082;
	s9 =	sld [smem:$0x3FB8]  }
0x2f: {  	lr =	sadd.s32 s0, s3;
	s0 =	sld [smem:$0x3FAF]  }
0x30: {  	s3 =	sld [smem:$0x3FB2]  }
0x31: {  	[smem:$0x3FBB] =	sst s10  }
0x32: {  	s10 =	sld [smem:$0x3FB9];
	_ =	sdelay $0x3  }
0x33: {  	p0 =	seq.s32 s10, $0x1;
	s10 =	sld [smem:$0x3FBB];
	_ =	sdelay $0x3  }
0x34: {  	[smem:$0x3FBB] =	sst s10  }
0x35: {  	s10 =	sld [smem:$0x3FBA];
	_ =	sdelay $0x3  }
0x36: {  	p1 =	seq.s32 s10, $0x1;
	s10 =	sld [smem:$0x3FBB];
	_ =	sdelay $0x3  }
0x37: {  	[smem:$0x3FBB] =	sst s10  }
0x38: {  	s10 =	sld [smem:$0x3FBC]  }
0x39: {  	_ = 	snop;
	(pc) =	sbr.ind lr, $3  }
0x3a: {  	_ = 	snop  }
0x3b: {  	_ = 	snop  }
0x3c: {  	p2 =	seq.s32 s10, $0x1;
	s10 =	sld [smem:$0x3FBB]  }
0x3d: {  	_ =	shalt  }
0x3e: {  	_ =	shalt  }
0x3f: {  	_ =	shalt  }
0x40: {  	_ =	shalt  }
0x41: {  	_ =	shalt  }
0x42: {  	_ =	shalt  }
0x43: {  	_ =	shalt  }
0x44: {  	_ =	shalt  }
0x45: {  	_ =	shalt  }
0x46: {  	_ =	shalt  }
0x47: {  	_ =	shalt  }
0x48: {  	_ =	shalt  }
0x49: {  	_ =	shalt  }
0x4a: {  	_ =	shalt  }
0x4b: {  	_ =	shalt  }
0x4c: {  	_ =	shalt  }
0x4d: {  	_ =	shalt  }
0x4e: {  	_ =	shalt  }
0x4f: {  	_ =	shalt  }
0x50: {  	_ =	shalt  }
0x51: {  	_ =	shalt  }
0x52: {  	_ =	shalt  }
0x53: {  	_ =	shalt  }
0x54: {  	_ =	shalt  }
0x55: {  	_ =	shalt  }
0x56: {  	_ =	shalt  }
0x57: {  	_ =	shalt  }
0x58: {  	_ =	shalt  }
0x59: {  	_ =	shalt  }
0x5a: {  	_ =	shalt  }
0x5b: {  	_ =	shalt  }
0x5c: {  	_ =	shalt  }
0x5d: {  	_ =	shalt  }
0x5e: {  	_ =	shalt  }
0x5f: {  	_ =	shalt  }
0x60: {  	_ =	shalt  }
0x61: {  	_ =	shalt  }
0x62: {  	_ =	shalt  }
0x63: {  	_ =	shalt  }
0x64: {  	_ =	shalt  }
0x65: {  	_ =	shalt  }
0x66: {  	_ =	shalt  }
0x67: {  	_ =	shalt  }
0x68: {  	_ =	shalt  }
0x69: {  	_ =	shalt  }
0x6a: {  	_ =	shalt  }
0x6b: {  	_ =	shalt  }
0x6c: {  	_ =	shalt  }
0x6d: {  	_ =	shalt  }
0x6e: {  	_ =	shalt  }
0x6f: {  	_ =	shalt  }
0x70: {  	_ =	shalt  }
0x71: {  	_ =	shalt  }
0x72: {  	_ =	shalt  }
0x73: {  	_ =	shalt  }
0x74: {  	_ =	shalt  }
0x75: {  	_ =	shalt  }
0x76: {  	_ =	shalt  }
0x77: {  	_ =	shalt  }
0x78: {  	_ =	shalt  }
0x79: {  	_ =	shalt  }
0x7a: {  	_ =	shalt  }
0x7b: {  	_ =	shalt  }
0x7c: {  	_ =	shalt  }
0x7d: {  	_ =	shalt  }
0x7e: {  	_ =	shalt  }
0x7f: {  	_ =	shalt  }
0x80: {  	_ =	shalt  }
0x81: {  	_ =	shalt  }
0x82: {  	_ =	shalt  }
0x83: {  	_ =	shalt  }
0x84: {  	_ =	shalt  }
0x85: {  	_ =	shalt  }
0x86: {  	_ =	shalt  }
0x87: {  	_ =	shalt  }
.Lfunc_end0:
.L_simem_size_0:
called_computation_lowered:
.L_overlay_start_0:
0x88: {  	s2 =	sld [smem:$0x3FD9]  }
0x89: {  	s3 =	sld [smem:$0x3FFE];
	_ =	sdelay $0x1  }
0x8a: {  	s1 =	srdreg.scid  }
0x8b: {  	s0 =	sand.u32 $0x1, s1  }
0x8c: {  	s18 =	sshll.u32 s0, $0xA;
	s2 =	sadd.s32 s3, s2  }
0x8d: {  	s2 =	sadd.s32 s2, s18  }
0x8e: {  	[smem:$0x3FC7] =	sst s2  }
0x8f: {  	_ = 	snop  }
0x90: {  	s2 =	sld [smem:$0x3FC9]  }
0x91: {  	s19 =	sld [smem:$0x3FD0];
	(tm) =	ssettm $0x1  }
0x92: {  	s4 =	sld [smem:$0x3FFB];
	_ =	sdelay $0x3  }
0x93: {  	_ =	strace s4  }
0x94: {  	s4 =	sld [smem:$0x3FFC];
	_ =	sdelay $0x3  }
0x95: {  	_ =	strace s4  }
0x96: {  	s4 =	sld [smem:$0x3FFD];
	_ =	sdelay $0x3  }
0x97: {  	_ =	strace s4  }
0x98: {  	_ =	strace $0x8FFFFFFF  }
0x99: {  	s20 =	sld [smem:$0x3FDB];
	_ =	sdelay $0x1  }
0x9a: {  	s5 =	simm.s32 $_scs_section_size  }
0x9b: {  	s6 =	simm.s32 $_size__tile_overlayer_lowered;
	s7 =	simm.s32 $_tile_overlayer_lowered  }
0x9c: {  	s23 =	simm.s32 $0x1BFF;
	s22 =	sshll.u32 s7, $0x1;
	s4 =	sadd.s32 s5, s20  }
0x9d: {  	s8 =	simm.s32 $0x0;
	s21 =	sshll.u32 s6, $0x1;
	s6 =	sadd.s32 s22, s4  }
0x9e: {  	[timem:s8], [sflag:s23] =	dma.local [hbm:s6], s21  }
0x9f: {  	_ =	swait.ge [sflag:s23], s21  }
0xa0: {  	s5 =	ssub.s32 $0x0, s21;
	[sflag:s23] =	ssyncset.done $0x0  }
0xa1: {  	[sflag:s23] =	ssyncadd.s32 s5;
	_ =	sdelay $0x1  }
0xa2: {  	s24 =	simm.s32 $0x1B8B  }
0xa3: {  	_ =	swait.ge [sflag:s24], $0x1  }
0xa4: {  	[sflag:s24] =	ssyncset.done $0x0  }
0xa5: {  	s25 =	simm.s32 $0x1B8E;
	[sflag:s24] =	ssyncadd.s32 $0xFFFFFFFF  }
0xa6: {  	s26 =	simm.s32 $execute0_lowered;
	[smem:$0x3FD2] =	sst s25  }
0xa7: {  	s5 =	sshll.u32 s26, $0x1;
	_ =	strace $0x80000046;
	[dreg:$0x1] =	wrdreg $0xFFFFFFFF  }
0xa8: {  	s28 =	simm.s32 $_size_execute0_lowered;
	s4 =	sadd.s32 s4, s5;
	[dreg:$0x0] =	wrdreg $0x0  }
0xa9: {  	s5 =	sshll.u32 s28, $0x1;
	[dreg:$0x2] =	wrdreg s4  }
0xaa: {  	[dreg:$0x3] =	wrdreg s5  }
0xab: {  	[dreg:$0x4] =	wrdreg $0xC0  }
0xac: {  	_ =	task [dreg:s8], $0x5FFFF  }
0xad: {  	[dreg:$0x1] =	wrdreg $0xFFFFFFFF  }
0xae: {  	[dreg:$0x0] =	wrdreg $0x60  }
0xaf: {  	[dreg:$0x2] =	wrdreg s2  }
0xb0: {  	[dreg:$0x3] =	wrdreg s19  }
0xb1: {  	[dreg:$0x4] =	wrdreg $0x9  }
0xb2: {  	_ =	task.clear_ibuf [dreg:s8], $0x5FFFF;
	_ =	strace $0x90000046  }
0xb3: {  	s29 =	simm.s32 $0x9;
	_ =	strace $0x80000048  }
0xb4: {  	_ =	swait.ge [sflag:s29], $0x1  }
0xb5: {  	[sflag:s29] =	ssyncadd.s32 $0xFFFFFFFF  }
0xb6: {  	_ =	strace $0x90000048  }
0xb7: {  	_ =	sfence  }
0xb8: {  	s30 =	sld [smem:$0x0];
	_ =	sdelay $0x2  }
0xb9: {  	s31 =	sshll.u32 s1, $0xD;
	s1 =	sshrl.u32 s1, $0x2  }
0xba: {  	s3 =	sand.u32 $0x4000, s31;
	s1 =	sadd.s32 s1, s30  }
0xbb: {  	s0 =	sor.u32 s3, s0;
	s1 =	sshll.u32 s1, $0x11  }
0xbc: {  	s0 =	sor.u32 s1, s0  }
0xbd: {  	s0 =	sadd.s32 $0x8F2B, s0  }
0xbe: {  	[sflag:s0] =	ssyncadd.remote.s32 $0x1  }
0xbf: {  	_ =	sfence.sel $0xFFFF  }
0xc0: {  	[dreg:$0x0] =	wrdreg $0xFFFFFFFF;
	(pc) =	sbr.abs _section_cstart, $3  }
0xc1: {  	[dreg:$0x1] =	wrdreg $0xFFFFFFFF  }
0xc2: {  	_ =	task.clear_ibuf [dreg:s8], $0x2FFFF;
	_ =	strace $0x9FFFFFFF  }
0xc3: {  	(tm) =	ssettm $0x7FFFFFFF  }
tec
execute0_lowered:
.L_overlay_start_1:
0x0: {  	(tag) =	ssettag $0x1  }
0x1: {  	s5 =	rddreg [dreg:$0x0]  }
0x2: {  	s1 =	rddreg [dreg:$0x1];
	s2 =	srdreg.scid  }
0x3: {  	s0 =	rddreg [dreg:$0x2];
	s3 =	simm.s32 $0x0;
	s10 =	simm.s32 $0x1  }
0x4: {  	s11 =	simm.s32 $0x4000;
	s12 =	simm.s32 $0x200;
	s13 =	simm.s32 $0x80000  }
0x5: {  	s14 =	simm.s32 $0x6A00;
	s15 =	simm.s32 $0x2;
	s16 =	simm.s32 $0x0  }
0x6: {  	s4 =	sand.u32 $0x1, s2;
	[smem:$0x7FF] =	sst s3;
	s2 =	stileid.u32  }
0x7: {  	v0 =	vlaneseq.u32;
	s6 =	ssub.s32 $0x2, s4;
	s8 =	sshll.u32 s2, $0xC;
	s4 =	sshll.u32 s4, $0xB  }
0x8: {  	v1 =	vimm.f32 $0.0e+00;
	v2 =	vimm.f32 $1.000000000e+00;
	v3 =	vor.u32 $0x10, v0;
	_ =	strace $0x80000047;
	s7 =	sshrl.u32 s6, $0x1;
	s4 =	sor.u32 s4, s8  }
0x9: {  	v4 =	vor.u32 $0x20, v0;
	v5 =	vor.u32 $0x30, v0;
	v6 =	vor.u32 $0x40, v0;
	s9 =	ssub.s32 s6, s7;
	s5 =	sadd.s32 s5, s4;
	s7 =	sadd.s32 $0x40, s1  }
0xa: {  	v7 =	vor.u32 $0x50, v0;
	v8 =	vor.u32 $0x60, v0;
	v9 =	vor.u32 $0x70, v0;
	s6 =	sadd.s32 s1, s4;
	s8 =	sadd.s32 s4, s7;
	s9 =	smax.u32 s9, $0x1  }
.LBB2_1:
0xb: {  	[tilespmem:s3], [sflag:$0x1] =	stream.linear.gather [hbm4b:s5+s3], $0x4000, $0x38;
	[tilespmem:$0x9400] =	vst v63  }
0xc: {  	s17 =	simm.s32 $0x0;
	s18 =	simm.s32 $0x200  }
.LBB2_2:
0xd: {  	p0 =	sne.s32 s18, $0xA600;
	[tilespmem:s17+$0x4070] =	vst v1  }
0xe: {  	[tilespmem:s17+$0x4000] =	vst v1  }
0xf: {  	[tilespmem:s17+$0x4010] =	vst v1  }
.Ltmp0:
0x10: {  	[tilespmem:s17+$0x4020] =	vst v1;
	(pc) =	sbr.rel @p0 .LBB2_2-.Ltmp0, $4  }
0x11: {  	[tilespmem:s17+$0x4030] =	vst v1  }
0x12: {  	[tilespmem:s17+$0x4040] =	vst v1  }
0x13: {  	[tilespmem:s17+$0x4050] =	vst v1  }
0x14: {  	[tilespmem:s17+$0x4060] =	vst v1;
	s17 =	sshra.s32 s18, $0x2;
	s18 =	sadd.s32 $0x200, s18  }
0x15: {  	[tilespmem:s17+$0x4070] =	vst v1  }
0x16: {  	[tilespmem:s17+$0x4000] =	vst v1  }
0x17: {  	[tilespmem:s17+$0x4010] =	vst v1  }
0x18: {  	[tilespmem:s17+$0x4020] =	vst v1  }
0x19: {  	[tilespmem:s17+$0x4030] =	vst v1  }
0x1a: {  	[tilespmem:s17+$0x4040] =	vst v1  }
0x1b: {  	[tilespmem:s17+$0x4050] =	vst v1  }
0x1c: {  	[tilespmem:s17+$0x4060] =	vst v1  }
0x1d: {  	_ =	swait.ge [sflag:s10], $0x4000  }
0x1e: {  	[sflag:s10] =	ssyncset.done $0x0  }
0x1f: {  	s17 =	simm.s32 $0x0;
	s18 =	simm.s32 $0x40;
	[sflag:s10] =	ssyncadd.s32 $0xFFFFC000  }
.LBB2_4:
0x20: {  	v10 =	vld [tilespmem:s18+$0xFFFFFFC0];
	_ =	sdelay $0x4  }
0x21: {  	s19 =	sshll.u32 s17, $0x7;
	v10 =	vshll.u32 v10, $0x9  }
0x22: {  	v10 =	vadd.s32 s19, v10  }
0x23: {  	v10 =	vor.u32 v0, v10;
	_ =	sdelay $0x4  }
0x24: {  	[tilespmem:v10+s11+$0x0] =	vst.idx.msk $0xffff, v2  }
0x25: {  	v10 =	vld [tilespmem:s18+$0xFFFFFFD0];
	_ =	sdelay $0x4  }
0x26: {  	v10 =	vshll.u32 v10, $0x9  }
0x27: {  	v10 =	vadd.s32 s19, v10  }
0x28: {  	v10 =	vor.u32 v3, v10;
	_ =	sdelay $0x4  }
0x29: {  	[tilespmem:v10+s11+$0x0] =	vst.idx.msk $0xffff, v2  }
0x2a: {  	v10 =	vld [tilespmem:s18+$0xFFFFFFE0];
	_ =	sdelay $0x4  }
0x2b: {  	v10 =	vshll.u32 v10, $0x9  }
0x2c: {  	v10 =	vadd.s32 s19, v10  }
0x2d: {  	v10 =	vor.u32 v4, v10;
	_ =	sdelay $0x4  }
0x2e: {  	[tilespmem:v10+s11+$0x0] =	vst.idx.msk $0xffff, v2  }
0x2f: {  	v10 =	vld [tilespmem:s18+$0xFFFFFFF0];
	_ =	sdelay $0x4  }
0x30: {  	v10 =	vshll.u32 v10, $0x9  }
0x31: {  	v10 =	vadd.s32 s19, v10  }
0x32: {  	v10 =	vor.u32 v5, v10;
	_ =	sdelay $0x4  }
0x33: {  	[tilespmem:v10+s11+$0x0] =	vst.idx.msk $0xffff, v2  }
0x34: {  	v10 =	vld [tilespmem:s18+$0x0];
	_ =	sdelay $0x4  }
0x35: {  	v10 =	vshll.u32 v10, $0x9  }
0x36: {  	v10 =	vadd.s32 s19, v10  }
0x37: {  	v10 =	vor.u32 v6, v10;
	_ =	sdelay $0x4  }
0x38: {  	[tilespmem:v10+s11+$0x0] =	vst.idx.msk $0xffff, v2  }
0x39: {  	v10 =	vld [tilespmem:s18+$0x10];
	_ =	sdelay $0x4  }
0x3a: {  	v10 =	vshll.u32 v10, $0x9  }
0x3b: {  	v10 =	vadd.s32 s19, v10  }
0x3c: {  	v10 =	vor.u32 v7, v10;
	_ =	sdelay $0x4  }
0x3d: {  	[tilespmem:v10+s11+$0x0] =	vst.idx.msk $0xffff, v2  }
0x3e: {  	v10 =	vld [tilespmem:s18+$0x20];
	_ =	sdelay $0x4  }
0x3f: {  	v10 =	vshll.u32 v10, $0x9  }
0x40: {  	v10 =	vadd.s32 s19, v10  }
0x41: {  	v10 =	vor.u32 v8, v10;
	_ =	sdelay $0x4  }
0x42: {  	[tilespmem:v10+s11+$0x0] =	vst.idx.msk $0xffff, v2  }
0x43: {  	v10 =	vld [tilespmem:s18+$0x30];
	_ =	sdelay $0x4  }
0x44: {  	v10 =	vshll.u32 v10, $0x9  }
0x45: {  	v10 =	vadd.s32 s19, v10  }
0x46: {  	p0 =	sne.s32 s17, $0x3;
	v10 =	vor.u32 v9, v10  }
.Ltmp1:
0x47: {  	_ = 	snop;
	(pc) =	sbr.rel @p0 .LBB2_4-.Ltmp1, $2  }
0x48: {  	_ =	sdelay $0x2  }
0x49: {  	s17 =	sadd.s32 $0x1, s17;
	s18 =	sadd.s32 $0x80, s18;
	[tilespmem:v10+s11+$0x0] =	vst.idx.msk $0xffff, v2  }
0x4a: {  	[hbm4b:s6+s12] =	stream.strided.scatter [tilespmem:s11], [sflag:$0x1], $0x2A00, s13, s12, $0x38;
	[tilespmem:$0x9400] =	vst v63  }
0x4b: {  	s17 =	simm.s32 $0x0;
	s18 =	simm.s32 $0x0;
	s19 =	simm.s32 $0x200  }
.LBB2_6:
0x4c: {  	p0 =	sne.s32 s19, $0xA600;
	[tilespmem:s18+$0x6A70] =	vst v1  }
0x4d: {  	[tilespmem:s18+$0x6A00] =	vst v1  }
0x4e: {  	[tilespmem:s18+$0x6A10] =	vst v1  }
.Ltmp2:
0x4f: {  	[tilespmem:s18+$0x6A20] =	vst v1;
	(pc) =	sbr.rel @p0 .LBB2_6-.Ltmp2, $4  }
0x50: {  	[tilespmem:s18+$0x6A30] =	vst v1  }
0x51: {  	[tilespmem:s18+$0x6A40] =	vst v1  }
0x52: {  	[tilespmem:s18+$0x6A50] =	vst v1  }
0x53: {  	[tilespmem:s18+$0x6A60] =	vst v1;
	s18 =	sshra.s32 s19, $0x2;
	s19 =	sadd.s32 $0x200, s19  }
0x54: {  	[tilespmem:s18+$0x6A70] =	vst v1  }
0x55: {  	[tilespmem:s18+$0x6A00] =	vst v1  }
0x56: {  	[tilespmem:s18+$0x6A10] =	vst v1  }
0x57: {  	[tilespmem:s18+$0x6A20] =	vst v1  }
0x58: {  	[tilespmem:s18+$0x6A30] =	vst v1  }
0x59: {  	[tilespmem:s18+$0x6A40] =	vst v1  }
0x5a: {  	[tilespmem:s18+$0x6A50] =	vst v1  }
0x5b: {  	[tilespmem:s18+$0x6A60] =	vst v1;
	s18 =	simm.s32 $0x270  }
.LBB2_8:
0x5c: {  	v10 =	vld [tilespmem:s18+$0xFFFFFF90];
	_ =	sdelay $0x4  }
0x5d: {  	s19 =	sshll.u32 s17, $0x7;
	v10 =	vshll.u32 v10, $0x9  }
0x5e: {  	v10 =	vadd.s32 s19, v10  }
0x5f: {  	v10 =	vor.u32 v0, v10;
	_ =	sdelay $0x4  }
0x60: {  	[tilespmem:v10+s14+$0x0] =	vst.idx.msk $0xffff, v2  }
0x61: {  	v10 =	vld [tilespmem:s18+$0xFFFFFFA0];
	_ =	sdelay $0x4  }
0x62: {  	v10 =	vshll.u32 v10, $0x9  }
0x63: {  	v10 =	vadd.s32 s19, v10  }
0x64: {  	v10 =	vor.u32 v3, v10;
	_ =	sdelay $0x4  }
0x65: {  	[tilespmem:v10+s14+$0x0] =	vst.idx.msk $0xffff, v2  }
0x66: {  	v10 =	vld [tilespmem:s18+$0xFFFFFFB0];
	_ =	sdelay $0x4  }
0x67: {  	v10 =	vshll.u32 v10, $0x9  }
0x68: {  	v10 =	vadd.s32 s19, v10  }
0x69: {  	v10 =	vor.u32 v4, v10;
	_ =	sdelay $0x4  }
0x6a: {  	[tilespmem:v10+s14+$0x0] =	vst.idx.msk $0xffff, v2  }
0x6b: {  	v10 =	vld [tilespmem:s18+$0xFFFFFFC0];
	_ =	sdelay $0x4  }
0x6c: {  	v10 =	vshll.u32 v10, $0x9  }
0x6d: {  	v10 =	vadd.s32 s19, v10  }
0x6e: {  	v10 =	vor.u32 v5, v10;
	_ =	sdelay $0x4  }
0x6f: {  	[tilespmem:v10+s14+$0x0] =	vst.idx.msk $0xffff, v2  }
0x70: {  	v10 =	vld [tilespmem:s18+$0xFFFFFFD0];
	_ =	sdelay $0x4  }
0x71: {  	v10 =	vshll.u32 v10, $0x9  }
0x72: {  	v10 =	vadd.s32 s19, v10  }
0x73: {  	v10 =	vor.u32 v6, v10;
	_ =	sdelay $0x4  }
0x74: {  	[tilespmem:v10+s14+$0x0] =	vst.idx.msk $0xffff, v2  }
0x75: {  	v10 =	vld [tilespmem:s18+$0xFFFFFFE0];
	_ =	sdelay $0x4  }
0x76: {  	v10 =	vshll.u32 v10, $0x9  }
0x77: {  	v10 =	vadd.s32 s19, v10  }
0x78: {  	v10 =	vor.u32 v7, v10;
	_ =	sdelay $0x4  }
0x79: {  	[tilespmem:v10+s14+$0x0] =	vst.idx.msk $0xffff, v2  }
0x7a: {  	v10 =	vld [tilespmem:s18+$0xFFFFFFF0];
	_ =	sdelay $0x4  }
0x7b: {  	v10 =	vshll.u32 v10, $0x9  }
0x7c: {  	v10 =	vadd.s32 s19, v10  }
0x7d: {  	v10 =	vor.u32 v8, v10;
	_ =	sdelay $0x4  }
0x7e: {  	[tilespmem:v10+s14+$0x0] =	vst.idx.msk $0xffff, v2  }
0x7f: {  	v10 =	vld [tilespmem:s18+$0x0];
	_ =	sdelay $0x4  }
0x80: {  	v10 =	vshll.u32 v10, $0x9  }
0x81: {  	v10 =	vadd.s32 s19, v10  }
0x82: {  	p0 =	sne.s32 s17, $0x3;
	v10 =	vor.u32 v9, v10  }
.Ltmp3:
0x83: {  	_ = 	snop;
	(pc) =	sbr.rel @p0 .LBB2_8-.Ltmp3, $2  }
0x84: {  	_ =	sdelay $0x2  }
0x85: {  	s17 =	sadd.s32 $0x1, s17;
	s18 =	sadd.s32 $0x80, s18;
	[tilespmem:v10+s14+$0x0] =	vst.idx.msk $0xffff, v2  }
0x86: {  	[hbm4b:s8+s12] =	stream.strided.scatter [tilespmem:s14], [sflag:$0x2], $0x2A00, s13, s12, $0x38;
	[tilespmem:$0x9400] =	vst v63  }
0x87: {  	s17 =	simm.s32 $0x1;
	s18 =	simm.s32 $0x400;
	s19 =	simm.s32 $0x600  }
.LBB2_10:
0x88: {  	_ =	swait.ge [sflag:s10], $0x2A00  }
0x89: {  	[sflag:s10] =	ssyncset.done $0x0  }
0x8a: {  	s20 =	simm.s32 $0x0;
	s21 =	smov.u32 s18;
	[sflag:s10] =	ssyncadd.s32 $0xFFFFD600  }
.LBB2_11:
0x8b: {  	v10 =	vld [tilespmem:s21+$0xFFFFFC00];
	_ =	sdelay $0x4  }
0x8c: {  	s22 =	sshll.u32 s20, $0x7;
	v10 =	vshll.u32 v10, $0x9  }
0x8d: {  	v10 =	vadd.s32 s22, v10  }
0x8e: {  	v10 =	vor.u32 v0, v10;
	_ =	sdelay $0x4  }
0x8f: {  	[tilespmem:v10+s11+$0x0] =	vst.idx.msk $0xffff, v1  }
0x90: {  	v10 =	vld [tilespmem:s21+$0x0];
	_ =	sdelay $0x4  }
0x91: {  	v10 =	vshll.u32 v10, $0x9  }
0x92: {  	v10 =	vadd.s32 s22, v10  }
0x93: {  	v10 =	vor.u32 v0, v10;
	_ =	sdelay $0x4  }
0x94: {  	[tilespmem:v10+s11+$0x0] =	vst.idx.msk $0xffff, v2  }
0x95: {  	v10 =	vld [tilespmem:s21+$0xFFFFFC10];
	_ =	sdelay $0x4  }
0x96: {  	v10 =	vshll.u32 v10, $0x9  }
0x97: {  	v10 =	vadd.s32 s22, v10  }
0x98: {  	v10 =	vor.u32 v3, v10;
	_ =	sdelay $0x4  }
0x99: {  	[tilespmem:v10+s11+$0x0] =	vst.idx.msk $0xffff, v1  }
0x9a: {  	v10 =	vld [tilespmem:s21+$0x10];
	_ =	sdelay $0x4  }
0x9b: {  	v10 =	vshll.u32 v10, $0x9  }
0x9c: {  	v10 =	vadd.s32 s22, v10  }
0x9d: {  	v10 =	vor.u32 v3, v10;
	_ =	sdelay $0x4  }
0x9e: {  	[tilespmem:v10+s11+$0x0] =	vst.idx.msk $0xffff, v2  }
0x9f: {  	v10 =	vld [tilespmem:s21+$0xFFFFFC20];
	_ =	sdelay $0x4  }
0xa0: {  	v10 =	vshll.u32 v10, $0x9  }
0xa1: {  	v10 =	vadd.s32 s22, v10  }
0xa2: {  	v10 =	vor.u32 v4, v10;
	_ =	sdelay $0x4  }
0xa3: {  	[tilespmem:v10+s11+$0x0] =	vst.idx.msk $0xffff, v1  }
0xa4: {  	v10 =	vld [tilespmem:s21+$0x20];
	_ =	sdelay $0x4  }
0xa5: {  	v10 =	vshll.u32 v10, $0x9  }
0xa6: {  	v10 =	vadd.s32 s22, v10  }
0xa7: {  	v10 =	vor.u32 v4, v10;
	_ =	sdelay $0x4  }
0xa8: {  	[tilespmem:v10+s11+$0x0] =	vst.idx.msk $0xffff, v2  }
0xa9: {  	v10 =	vld [tilespmem:s21+$0xFFFFFC30];
	_ =	sdelay $0x4  }
0xaa: {  	v10 =	vshll.u32 v10, $0x9  }
0xab: {  	v10 =	vadd.s32 s22, v10  }
0xac: {  	v10 =	vor.u32 v5, v10;
	_ =	sdelay $0x4  }
0xad: {  	[tilespmem:v10+s11+$0x0] =	vst.idx.msk $0xffff, v1  }
0xae: {  	v10 =	vld [tilespmem:s21+$0x30];
	_ =	sdelay $0x4  }
0xaf: {  	v10 =	vshll.u32 v10, $0x9  }
0xb0: {  	v10 =	vadd.s32 s22, v10  }
0xb1: {  	v10 =	vor.u32 v5, v10;
	_ =	sdelay $0x4  }
0xb2: {  	[tilespmem:v10+s11+$0x0] =	vst.idx.msk $0xffff, v2  }
0xb3: {  	v10 =	vld [tilespmem:s21+$0xFFFFFC40];
	_ =	sdelay $0x4  }
0xb4: {  	v10 =	vshll.u32 v10, $0x9  }
0xb5: {  	v10 =	vadd.s32 s22, v10  }
0xb6: {  	v10 =	vor.u32 v6, v10;
	_ =	sdelay $0x4  }
0xb7: {  	[tilespmem:v10+s11+$0x0] =	vst.idx.msk $0xffff, v1  }
0xb8: {  	v10 =	vld [tilespmem:s21+$0x40];
	_ =	sdelay $0x4  }
0xb9: {  	v10 =	vshll.u32 v10, $0x9  }
0xba: {  	v10 =	vadd.s32 s22, v10  }
0xbb: {  	v10 =	vor.u32 v6, v10;
	_ =	sdelay $0x4  }
0xbc: {  	[tilespmem:v10+s11+$0x0] =	vst.idx.msk $0xffff, v2  }
0xbd: {  	v10 =	vld [tilespmem:s21+$0xFFFFFC50];
	_ =	sdelay $0x4  }
0xbe: {  	v10 =	vshll.u32 v10, $0x9  }
0xbf: {  	v10 =	vadd.s32 s22, v10  }
0xc0: {  	v10 =	vor.u32 v7, v10;
	_ =	sdelay $0x4  }
0xc1: {  	[tilespmem:v10+s11+$0x0] =	vst.idx.msk $0xffff, v1  }
0xc2: {  	v10 =	vld [tilespmem:s21+$0x50];
	_ =	sdelay $0x4  }
0xc3: {  	v10 =	vshll.u32 v10, $0x9  }
0xc4: {  	v10 =	vadd.s32 s22, v10  }
0xc5: {  	v10 =	vor.u32 v7, v10;
	_ =	sdelay $0x4  }
0xc6: {  	[tilespmem:v10+s11+$0x0] =	vst.idx.msk $0xffff, v2  }
0xc7: {  	v10 =	vld [tilespmem:s21+$0xFFFFFC60];
	_ =	sdelay $0x4  }
0xc8: {  	v10 =	vshll.u32 v10, $0x9  }
0xc9: {  	v10 =	vadd.s32 s22, v10  }
0xca: {  	v10 =	vor.u32 v8, v10;
	_ =	sdelay $0x4  }
0xcb: {  	[tilespmem:v10+s11+$0x0] =	vst.idx.msk $0xffff, v1  }
0xcc: {  	v10 =	vld [tilespmem:s21+$0x60];
	_ =	sdelay $0x4  }
0xcd: {  	v10 =	vshll.u32 v10, $0x9  }
0xce: {  	v10 =	vadd.s32 s22, v10  }
0xcf: {  	v10 =	vor.u32 v8, v10;
	_ =	sdelay $0x4  }
0xd0: {  	[tilespmem:v10+s11+$0x0] =	vst.idx.msk $0xffff, v2  }
0xd1: {  	v10 =	vld [tilespmem:s21+$0xFFFFFC70];
	_ =	sdelay $0x4  }
0xd2: {  	v10 =	vshll.u32 v10, $0x9  }
0xd3: {  	v10 =	vadd.s32 s22, v10  }
0xd4: {  	v10 =	vor.u32 v9, v10;
	_ =	sdelay $0x4  }
0xd5: {  	[tilespmem:v10+s11+$0x0] =	vst.idx.msk $0xffff, v1  }
0xd6: {  	v10 =	vld [tilespmem:s21+$0x70];
	_ =	sdelay $0x4  }
0xd7: {  	v10 =	vshll.u32 v10, $0x9  }
0xd8: {  	v10 =	vadd.s32 s22, v10  }
0xd9: {  	p0 =	sne.s32 s20, $0x3;
	v10 =	vor.u32 v9, v10  }
.Ltmp4:
0xda: {  	_ = 	snop;
	(pc) =	sbr.rel @p0 .LBB2_11-.Ltmp4, $2  }
0xdb: {  	_ =	sdelay $0x2  }
0xdc: {  	s20 =	sadd.s32 $0x1, s20;
	s21 =	sadd.s32 $0x80, s21;
	[tilespmem:v10+s11+$0x0] =	vst.idx.msk $0xffff, v2  }
0xdd: {  	s20 =	sshll.u32 s17, $0x7  }
0xde: {  	s20 =	sadd.s32 s4, s20  }
0xdf: {  	s21 =	sadd.s32 s1, s20  }
0xe0: {  	[hbm4b:s21+s12] =	stream.strided.scatter [tilespmem:s11], [sflag:$0x1], $0x2A00, s13, s12, $0x38;
	[tilespmem:$0x9400] =	vst v63  }
0xe1: {  	_ =	swait.ge [sflag:s15], $0x2A00  }
0xe2: {  	[sflag:s15] =	ssyncset.done $0x0  }
0xe3: {  	s22 =	smov.u32 s19;
	s21 =	simm.s32 $0x0;
	[sflag:s15] =	ssyncadd.s32 $0xFFFFD600  }
.LBB2_13:
0xe4: {  	v10 =	vld [tilespmem:s22+$0xFFFFFC00];
	_ =	sdelay $0x4  }
0xe5: {  	s23 =	sshll.u32 s21, $0x7;
	v10 =	vshll.u32 v10, $0x9  }
0xe6: {  	v10 =	vadd.s32 s23, v10  }
0xe7: {  	v10 =	vor.u32 v0, v10;
	_ =	sdelay $0x4  }
0xe8: {  	[tilespmem:v10+s14+$0x0] =	vst.idx.msk $0xffff, v1  }
0xe9: {  	v10 =	vld [tilespmem:s22+$0x0];
	_ =	sdelay $0x4  }
0xea: {  	v10 =	vshll.u32 v10, $0x9  }
0xeb: {  	v10 =	vadd.s32 s23, v10  }
0xec: {  	v10 =	vor.u32 v0, v10;
	_ =	sdelay $0x4  }
0xed: {  	[tilespmem:v10+s14+$0x0] =	vst.idx.msk $0xffff, v2  }
0xee: {  	v10 =	vld [tilespmem:s22+$0xFFFFFC10];
	_ =	sdelay $0x4  }
0xef: {  	v10 =	vshll.u32 v10, $0x9  }
0xf0: {  	v10 =	vadd.s32 s23, v10  }
0xf1: {  	v10 =	vor.u32 v3, v10;
	_ =	sdelay $0x4  }
0xf2: {  	[tilespmem:v10+s14+$0x0] =	vst.idx.msk $0xffff, v1  }
0xf3: {  	v10 =	vld [tilespmem:s22+$0x10];
	_ =	sdelay $0x4  }
0xf4: {  	v10 =	vshll.u32 v10, $0x9  }
0xf5: {  	v10 =	vadd.s32 s23, v10  }
0xf6: {  	v10 =	vor.u32 v3, v10;
	_ =	sdelay $0x4  }
0xf7: {  	[tilespmem:v10+s14+$0x0] =	vst.idx.msk $0xffff, v2  }
0xf8: {  	v10 =	vld [tilespmem:s22+$0xFFFFFC20];
	_ =	sdelay $0x4  }
0xf9: {  	v10 =	vshll.u32 v10, $0x9  }
0xfa: {  	v10 =	vadd.s32 s23, v10  }
0xfb: {  	v10 =	vor.u32 v4, v10;
	_ =	sdelay $0x4  }
0xfc: {  	[tilespmem:v10+s14+$0x0] =	vst.idx.msk $0xffff, v1  }
0xfd: {  	v10 =	vld [tilespmem:s22+$0x20];
	_ =	sdelay $0x4  }
0xfe: {  	v10 =	vshll.u32 v10, $0x9  }
0xff: {  	v10 =	vadd.s32 s23, v10  }
0x100: {  	v10 =	vor.u32 v4, v10;
	_ =	sdelay $0x4  }
0x101: {  	[tilespmem:v10+s14+$0x0] =	vst.idx.msk $0xffff, v2  }
0x102: {  	v10 =	vld [tilespmem:s22+$0xFFFFFC30];
	_ =	sdelay $0x4  }
0x103: {  	v10 =	vshll.u32 v10, $0x9  }
0x104: {  	v10 =	vadd.s32 s23, v10  }
0x105: {  	v10 =	vor.u32 v5, v10;
	_ =	sdelay $0x4  }
0x106: {  	[tilespmem:v10+s14+$0x0] =	vst.idx.msk $0xffff, v1  }
0x107: {  	v10 =	vld [tilespmem:s22+$0x30];
	_ =	sdelay $0x4  }
0x108: {  	v10 =	vshll.u32 v10, $0x9  }
0x109: {  	v10 =	vadd.s32 s23, v10  }
0x10a: {  	v10 =	vor.u32 v5, v10;
	_ =	sdelay $0x4  }
0x10b: {  	[tilespmem:v10+s14+$0x0] =	vst.idx.msk $0xffff, v2  }
0x10c: {  	v10 =	vld [tilespmem:s22+$0xFFFFFC40];
	_ =	sdelay $0x4  }
0x10d: {  	v10 =	vshll.u32 v10, $0x9  }
0x10e: {  	v10 =	vadd.s32 s23, v10  }
0x10f: {  	v10 =	vor.u32 v6, v10;
	_ =	sdelay $0x4  }
0x110: {  	[tilespmem:v10+s14+$0x0] =	vst.idx.msk $0xffff, v1  }
0x111: {  	v10 =	vld [tilespmem:s22+$0x40];
	_ =	sdelay $0x4  }
0x112: {  	v10 =	vshll.u32 v10, $0x9  }
0x113: {  	v10 =	vadd.s32 s23, v10  }
0x114: {  	v10 =	vor.u32 v6, v10;
	_ =	sdelay $0x4  }
0x115: {  	[tilespmem:v10+s14+$0x0] =	vst.idx.msk $0xffff, v2  }
0x116: {  	v10 =	vld [tilespmem:s22+$0xFFFFFC50];
	_ =	sdelay $0x4  }
0x117: {  	v10 =	vshll.u32 v10, $0x9  }
0x118: {  	v10 =	vadd.s32 s23, v10  }
0x119: {  	v10 =	vor.u32 v7, v10;
	_ =	sdelay $0x4  }
0x11a: {  	[tilespmem:v10+s14+$0x0] =	vst.idx.msk $0xffff, v1  }
0x11b: {  	v10 =	vld [tilespmem:s22+$0x50];
	_ =	sdelay $0x4  }
0x11c: {  	v10 =	vshll.u32 v10, $0x9  }
0x11d: {  	v10 =	vadd.s32 s23, v10  }
0x11e: {  	v10 =	vor.u32 v7, v10;
	_ =	sdelay $0x4  }
0x11f: {  	[tilespmem:v10+s14+$0x0] =	vst.idx.msk $0xffff, v2  }
0x120: {  	v10 =	vld [tilespmem:s22+$0xFFFFFC60];
	_ =	sdelay $0x4  }
0x121: {  	v10 =	vshll.u32 v10, $0x9  }
0x122: {  	v10 =	vadd.s32 s23, v10  }
0x123: {  	v10 =	vor.u32 v8, v10;
	_ =	sdelay $0x4  }
0x124: {  	[tilespmem:v10+s14+$0x0] =	vst.idx.msk $0xffff, v1  }
0x125: {  	v10 =	vld [tilespmem:s22+$0x60];
	_ =	sdelay $0x4  }
0x126: {  	v10 =	vshll.u32 v10, $0x9  }
0x127: {  	v10 =	vadd.s32 s23, v10  }
0x128: {  	v10 =	vor.u32 v8, v10;
	_ =	sdelay $0x4  }
0x129: {  	[tilespmem:v10+s14+$0x0] =	vst.idx.msk $0xffff, v2  }
0x12a: {  	v10 =	vld [tilespmem:s22+$0xFFFFFC70];
	_ =	sdelay $0x4  }
0x12b: {  	v10 =	vshll.u32 v10, $0x9  }
0x12c: {  	v10 =	vadd.s32 s23, v10  }
0x12d: {  	v10 =	vor.u32 v9, v10;
	_ =	sdelay $0x4  }
0x12e: {  	[tilespmem:v10+s14+$0x0] =	vst.idx.msk $0xffff, v1  }
0x12f: {  	v10 =	vld [tilespmem:s22+$0x70];
	_ =	sdelay $0x4  }
0x130: {  	v10 =	vshll.u32 v10, $0x9  }
0x131: {  	v10 =	vadd.s32 s23, v10  }
0x132: {  	p0 =	sne.s32 s21, $0x3;
	v10 =	vor.u32 v9, v10  }
.Ltmp5:
0x133: {  	_ = 	snop;
	(pc) =	sbr.rel @p0 .LBB2_13-.Ltmp5, $2  }
0x134: {  	_ =	sdelay $0x2  }
0x135: {  	s21 =	sadd.s32 $0x1, s21;
	s22 =	sadd.s32 $0x80, s22;
	[tilespmem:v10+s14+$0x0] =	vst.idx.msk $0xffff, v2  }
0x136: {  	s17 =	sadd.s32 $0x1, s17  }
0x137: {  	p0 =	sne.s32 s17, $0x10  }
.Ltmp6:
0x138: {  	_ = 	snop;
	(pc) =	sbr.rel @p0 .LBB2_10-.Ltmp6, $3  }
0x139: {  	_ =	sdelay $0x1  }
0x13a: {  	s20 =	sadd.s32 s20, s7;
	s18 =	sadd.s32 $0x400, s18;
	s19 =	sadd.s32 $0x400, s19  }
0x13b: {  	[hbm4b:s20+s12] =	stream.strided.scatter [tilespmem:s14], [sflag:$0x2], $0x2A00, s13, s12, $0x38;
	[tilespmem:$0x9400] =	vst v63  }
0x13c: {  	s16 =	sadd.s32 $0x1, s16  }
0x13d: {  	_ =	swait.ge [sflag:s10], $0x2A00;
	p0 =	sne.s32 s16, s9  }
.Ltmp7:
0x13e: {  	[sflag:s10] =	ssyncset.done $0x0;
	(pc) =	sbr.rel @p0 .LBB2_1-.Ltmp7, $4  }
0x13f: {  	[sflag:s10] =	ssyncadd.s32 $0xFFFFD600  }
0x140: {  	_ =	swait.ge [sflag:s15], $0x2A00  }
0x141: {  	[sflag:s15] =	ssyncset.done $0x0  }
0x142: {  	[sflag:s15] =	ssyncadd.s32 $0xFFFFD600  }
0x143: {  	_ =	sfence.sel $0x180000  }
0x144: {  	[bflag:$0x0] =	sbarrier.arrive $0xFFFF  }
0x145: {  	p0 =	sne.s32 s2, $0x0;
	_ =	strace $0x90000047  }
0x146: {  	s0 =	sadd.s32 @!p0 $0x100000, s0;
	[bflag:$0x2] =	sbarrier.arrive $0xFFFF  }
0x147: {  	[sflag:s0] =	ssyncadd.tile.s32 @!p0 $0x1;
	_ =	shalt  }
.Lfunc_end2:
_tile_overlayer_lowered:
.L_overlay_start_2:
0x148: {  	(tag) =	ssettag $0x2  }
0x149: {  	s0 =	rddreg [dreg:$0x0];
	s2 =	stileid.u32  }
0x14a: {  	s1 =	rddreg [dreg:$0x1];
	p0 =	sne.s32 s2, $0x0  }
0x14b: {  	s3 =	rddreg [dreg:$0x2];
	[bflag:$0x3] =	sbarrier.arrive $0xFFFF;
	s2 =	simm.s32 @!p0 $0x1C03  }
0x14c: {  	[timem:s3], [sflag:s2] =	dma.local @!p0 [hbm:s0], s1  }
0x14d: {  	s0 =	simm.s32 @!p0 $0x3  }
0x14e: {  	_ =	swait.ge @!p0 [sflag:s0], s1  }
0x14f: {  	s1 =	ssub.s32 @!p0 $0x0, s1;
	[sflag:s0] =	ssyncset.done @!p0 $0x0  }
0x150: {  	[sflag:s0] =	ssyncadd.s32 @!p0 s1  }
0x151: {  	[bflag:$0x3] =	sbarrier.arrive $0xFFFF  }
0x152: {  	_ =	shalt  }

</sc_bundles>
